<compile_context>
chip_gen: v7x
topology: tpu7x:2x2x1
jax: 0.10.2.dev20260603
libtpu: 0.0.44.dev20260713+nightly
codegen_flags: <defaults>
</compile_context>

<pallas_src>
import functools

import jax
import jax.numpy as jnp
from jax import lax
from jax.experimental import pallas as pl
from jax.experimental.pallas import tpu as pltpu
from jax.experimental.pallas import tpu_sc as plsc

NUM_CORES = 2
NUM_SUBCORES = 16
NUM_WORKERS = NUM_CORES * NUM_SUBCORES


@functools.cache
def _make_kernel(b: int, l: int, dim: int):
    b_per_w = b // NUM_WORKERS
    tcols = b_per_w // 128
    assert l % 2 == 0 and b_per_w % 128 == 0 and dim % 8 == 0

    mesh = plsc.VectorSubcoreMesh(
        core_axis_name="c", subcore_axis_name="s",
        num_cores=NUM_CORES, num_subcores=NUM_SUBCORES)

    @functools.partial(
        pl.kernel,
        out_type=jax.ShapeDtypeStruct((l, dim // 8, b // 128, 8, 128),
                                      jnp.float32),
        mesh=mesh,
        scratch_types=[
            pltpu.VMEM((l, b_per_w), jnp.int32),
            pltpu.VMEM((2, b_per_w, dim), jnp.float32),
            pltpu.VMEM((2, dim // 8, tcols, 8, 128), jnp.float32),
            pltpu.SemaphoreType.DMA,
            pltpu.SemaphoreType.DMA,
            pltpu.SemaphoreType.DMA,
            pltpu.SemaphoreType.DMA,
        ],
        compiler_params=pltpu.CompilerParams(
            use_tc_tiling_on_sc=False, needs_layout_passes=False),
    )
    def emb(xt_hbm, table_hbm, out_hbm, xv, rows, tr5, gs0, gs1, ws0, ws1):
        wid = lax.axis_index("s") * NUM_CORES + lax.axis_index("c")
        b0 = wid * b_per_w
        tc0 = wid * tcols
        pltpu.sync_copy(xt_hbm.at[:, pl.ds(b0, b_per_w)], xv)

        gsems = (gs0, gs1)
        wsems = (ws0, ws1)

        def fire(pos, p):
            pltpu.async_copy(
                table_hbm.at[xv.at[pos]], rows.at[p], gsems[p])

        def wait_gather(p):
            pltpu.make_async_copy(
                table_hbm.at[xv.at[0]], rows.at[p], gsems[p]).wait()

        def start_wb(pos, p):
            pltpu.async_copy(
                tr5.at[p], out_hbm.at[pos, :, pl.ds(tc0, tcols)], wsems[p])

        def wait_wb(p):
            pltpu.make_async_copy(
                tr5.at[p], out_hbm.at[0, :, pl.ds(tc0, tcols)],
                wsems[p]).wait()

        row_bases = [
            jnp.arange(16, dtype=jnp.int32) + (tb * 128 + c0 * 16)
            for tb in range(tcols) for c0 in range(8)
        ]

        def transpose(p):
            src = rows.at[p]
            dst = tr5.at[p]

            def tbody(j, carry):
                a = j // 8
                rr = j % 8
                col = jnp.full((16,), j, dtype=jnp.int32)
                vecs = [
                    plsc.load_gather(src, [row_bases[g], col])
                    for g in range(tcols * 8)
                ]
                for tb in range(tcols):
                    for c0 in range(8):
                        dst[a, tb, rr, pl.ds(c0 * 16, 16)] = vecs[tb * 8 + c0]
                return carry

            lax.fori_loop(0, dim, tbody, 0)

        fire(0, 0)
        fire(1, 1)

        def body(j, carry):
            p0 = 2 * j
            wait_gather(0)

            @pl.when(j > 0)
            def _():
                wait_wb(0)

            transpose(0)
            start_wb(p0, 0)

            @pl.when(j < l // 2 - 1)
            def _():
                fire(p0 + 2, 0)

            wait_gather(1)

            @pl.when(j > 0)
            def _():
                wait_wb(1)

            transpose(1)
            start_wb(p0 + 1, 1)

            @pl.when(j < l // 2 - 1)
            def _():
                fire(p0 + 3, 1)

            return carry

        lax.fori_loop(0, l // 2, body, 0)
        wait_wb(0)
        wait_wb(1)

    return emb


def kernel(x, weight):
    b, l = x.shape
    _, dim = weight.shape
    xt = x.T.astype(jnp.int32)
    out5 = _make_kernel(b, l, dim)(xt, weight)
    return out5.transpose(2, 4, 0, 1, 3).reshape(b, l, dim)

# --- scband reference (transcript-rebuilt; emitter-appended) ---
"""Pipeline reference for scband-embedding-266287972740 (READ-ONLY COPY).

The authoritative reference and input builder live on the scoring server;
editing this copy changes nothing except your own understanding.
"""

import jax, jax.numpy as jnp
import numpy as np

VOCAB = 1000000
EMBED_DIM = 32
B = 16384
L = 50

def setup_inputs(seed: int = 0) -> dict:
    key = jax.random.key(seed)
    k_idx, k_w = jax.random.split(key)
    x = jax.random.randint(k_idx, (B, L), 0, VOCAB, dtype=jnp.int64 if jax.config.read('jax_enable_x64') else jnp.int32)
    weight = jax.random.normal(k_w, (VOCAB, EMBED_DIM), dtype=jnp.float32)
    return {"x": x, "weight": weight}

def reference(x, weight):
    # nn.Embedding forward: gather rows of weight by index
    out = jnp.take(weight, x, axis=0)
    return out

if __name__ == "__main__":
    import jax
    _d = setup_inputs()
    print(jax.jit(kernel)(*tuple(_d.values())))

</pallas_src>

<mosaic_0001>
#map = affine_map<(d0, d1) -> (0, 0)>
#map1 = affine_map<(d0, d1) -> (0, 0, 0, 0, 0)>
module attributes {stable_mosaic.version = 14 : i64} {
  func.func @emb(%arg0: i32, %arg1: i32, %arg2: memref<50x16384xi32, #tpu.memory_space<hbm>>, %arg3: memref<1000000x32xf32, #tpu.memory_space<hbm>>, %arg4: memref<50x4x128x8x128xf32, #tpu.memory_space<hbm>>, %arg5: memref<50x512xi32, #tpu.memory_space<vmem>>, %arg6: memref<2x512x32xf32, #tpu.memory_space<vmem>>, %arg7: memref<2x4x4x8x128xf32, #tpu.memory_space<vmem>>, %arg8: memref<!tpu.dma_semaphore, #tpu.memory_space<semaphore_mem>>, %arg9: memref<!tpu.dma_semaphore, #tpu.memory_space<semaphore_mem>>, %arg10: memref<!tpu.dma_semaphore, #tpu.memory_space<semaphore_mem>>, %arg11: memref<!tpu.dma_semaphore, #tpu.memory_space<semaphore_mem>>) attributes {dimension_semantics = [#tpu.dimension_semantics<core_parallel>, #tpu.dimension_semantics<subcore_parallel>], iteration_bounds = array<i64: 2, 16>, scalar_prefetch = 0 : i64, scratch_operands = 7 : i64, tpu.core_type = #tpu.core_type<sc_vector_subcore>, window_params = [{transform_indices = #map}, {transform_indices = #map}, {transform_indices = #map1}]} {
    %mul3A = arith.constant 2 : i32
    %mul3A_0 = arith.muli %arg1, %mul3A : i32
    %add3A = arith.addi %mul3A_0, %arg0 : i32
    %mul3A_1 = arith.constant 512 : i32
    %mul3A_2 = arith.muli %add3A, %mul3A_1 : i32
    %mul3A_3 = arith.constant 4 : i32
    %mul3A_4 = arith.muli %add3A, %mul3A_3 : i32
    "tpu.region"() ({
      %run_scoped3A = tpu.sem_alloc : memref<!tpu.dma_semaphore, #tpu.memory_space<semaphore_mem>>
      %dma_start3A_207 = arith.constant 0 : i32
      %dma_start3A_208 = tpu.memref_slice %arg2[%dma_start3A_207, %mul3A_2] : memref<50x16384xi32, #tpu.memory_space<hbm>> -> memref<50x512xi32, #tpu.memory_space<hbm>>
      %dma_start3A_209 = arith.constant 0 : i32
      %dma_start3A_210 = tpu.memref_slice %arg2[%dma_start3A_209, %mul3A_2] : memref<50x16384xi32, #tpu.memory_space<hbm>> -> memref<50x512xi32, #tpu.memory_space<hbm>>
      tpu.enqueue_dma source(%dma_start3A_210 : memref<50x512xi32, #tpu.memory_space<hbm>>) target(%arg5 : memref<50x512xi32, #tpu.memory_space<vmem>>) target_semaphore(%run_scoped3A : memref<!tpu.dma_semaphore, #tpu.memory_space<semaphore_mem>>)
      %dma_wait3A_211 = arith.constant 0 : i32
      %dma_wait3A_212 = tpu.memref_slice %arg2[%dma_wait3A_211, %mul3A_2] : memref<50x16384xi32, #tpu.memory_space<hbm>> -> memref<50x512xi32, #tpu.memory_space<hbm>>
      %dma_wait3A_213 = arith.constant 0 : i32
      %dma_wait3A_214 = tpu.memref_slice %arg2[%dma_wait3A_213, %mul3A_2] : memref<50x16384xi32, #tpu.memory_space<hbm>> -> memref<50x512xi32, #tpu.memory_space<hbm>>
      tpu.wait_dma2 semaphore(%run_scoped3A : memref<!tpu.dma_semaphore, #tpu.memory_space<semaphore_mem>>) src(%dma_wait3A_214 : memref<50x512xi32, #tpu.memory_space<hbm>>) dst(%arg5 : memref<50x512xi32, #tpu.memory_space<vmem>>)
      tpu.yield
    }) : () -> ()
    %iota3A = tpu.iota {dimensions = array<i32: 0>} : vector<16xi32>
    %add3A_5 = arith.constant 0 : i32
    %add3A_6 = vector.broadcast %add3A_5 : i32 to vector<16xi32>
    %add3A_7 = arith.addi %iota3A, %add3A_6 : vector<16xi32>
    %iota3A_8 = tpu.iota {dimensions = array<i32: 0>} : vector<16xi32>
    %add3A_9 = arith.constant 16 : i32
    %add3A_10 = vector.broadcast %add3A_9 : i32 to vector<16xi32>
    %add3A_11 = arith.addi %iota3A_8, %add3A_10 : vector<16xi32>
    %iota3A_12 = tpu.iota {dimensions = array<i32: 0>} : vector<16xi32>
    %add3A_13 = arith.constant 32 : i32
    %add3A_14 = vector.broadcast %add3A_13 : i32 to vector<16xi32>
    %add3A_15 = arith.addi %iota3A_12, %add3A_14 : vector<16xi32>
    %iota3A_16 = tpu.iota {dimensions = array<i32: 0>} : vector<16xi32>
    %add3A_17 = arith.constant 48 : i32
    %add3A_18 = vector.broadcast %add3A_17 : i32 to vector<16xi32>
    %add3A_19 = arith.addi %iota3A_16, %add3A_18 : vector<16xi32>
    %iota3A_20 = tpu.iota {dimensions = array<i32: 0>} : vector<16xi32>
    %add3A_21 = arith.constant 64 : i32
    %add3A_22 = vector.broadcast %add3A_21 : i32 to vector<16xi32>
    %add3A_23 = arith.addi %iota3A_20, %add3A_22 : vector<16xi32>
    %iota3A_24 = tpu.iota {dimensions = array<i32: 0>} : vector<16xi32>
    %add3A_25 = arith.constant 80 : i32
    %add3A_26 = vector.broadcast %add3A_25 : i32 to vector<16xi32>
    %add3A_27 = arith.addi %iota3A_24, %add3A_26 : vector<16xi32>
    %iota3A_28 = tpu.iota {dimensions = array<i32: 0>} : vector<16xi32>
    %add3A_29 = arith.constant 96 : i32
    %add3A_30 = vector.broadcast %add3A_29 : i32 to vector<16xi32>
    %add3A_31 = arith.addi %iota3A_28, %add3A_30 : vector<16xi32>
    %iota3A_32 = tpu.iota {dimensions = array<i32: 0>} : vector<16xi32>
    %add3A_33 = arith.constant 112 : i32
    %add3A_34 = vector.broadcast %add3A_33 : i32 to vector<16xi32>
    %add3A_35 = arith.addi %iota3A_32, %add3A_34 : vector<16xi32>
    %iota3A_36 = tpu.iota {dimensions = array<i32: 0>} : vector<16xi32>
    %add3A_37 = arith.constant 128 : i32
    %add3A_38 = vector.broadcast %add3A_37 : i32 to vector<16xi32>
    %add3A_39 = arith.addi %iota3A_36, %add3A_38 : vector<16xi32>
    %iota3A_40 = tpu.iota {dimensions = array<i32: 0>} : vector<16xi32>
    %add3A_41 = arith.constant 144 : i32
    %add3A_42 = vector.broadcast %add3A_41 : i32 to vector<16xi32>
    %add3A_43 = arith.addi %iota3A_40, %add3A_42 : vector<16xi32>
    %iota3A_44 = tpu.iota {dimensions = array<i32: 0>} : vector<16xi32>
    %add3A_45 = arith.constant 160 : i32
    %add3A_46 = vector.broadcast %add3A_45 : i32 to vector<16xi32>
    %add3A_47 = arith.addi %iota3A_44, %add3A_46 : vector<16xi32>
    %iota3A_48 = tpu.iota {dimensions = array<i32: 0>} : vector<16xi32>
    %add3A_49 = arith.constant 176 : i32
    %add3A_50 = vector.broadcast %add3A_49 : i32 to vector<16xi32>
    %add3A_51 = arith.addi %iota3A_48, %add3A_50 : vector<16xi32>
    %iota3A_52 = tpu.iota {dimensions = array<i32: 0>} : vector<16xi32>
    %add3A_53 = arith.constant 192 : i32
    %add3A_54 = vector.broadcast %add3A_53 : i32 to vector<16xi32>
    %add3A_55 = arith.addi %iota3A_52, %add3A_54 : vector<16xi32>
    %iota3A_56 = tpu.iota {dimensions = array<i32: 0>} : vector<16xi32>
    %add3A_57 = arith.constant 208 : i32
    %add3A_58 = vector.broadcast %add3A_57 : i32 to vector<16xi32>
    %add3A_59 = arith.addi %iota3A_56, %add3A_58 : vector<16xi32>
    %iota3A_60 = tpu.iota {dimensions = array<i32: 0>} : vector<16xi32>
    %add3A_61 = arith.constant 224 : i32
    %add3A_62 = vector.broadcast %add3A_61 : i32 to vector<16xi32>
    %add3A_63 = arith.addi %iota3A_60, %add3A_62 : vector<16xi32>
    %iota3A_64 = tpu.iota {dimensions = array<i32: 0>} : vector<16xi32>
    %add3A_65 = arith.constant 240 : i32
    %add3A_66 = vector.broadcast %add3A_65 : i32 to vector<16xi32>
    %add3A_67 = arith.addi %iota3A_64, %add3A_66 : vector<16xi32>
    %iota3A_68 = tpu.iota {dimensions = array<i32: 0>} : vector<16xi32>
    %add3A_69 = arith.constant 256 : i32
    %add3A_70 = vector.broadcast %add3A_69 : i32 to vector<16xi32>
    %add3A_71 = arith.addi %iota3A_68, %add3A_70 : vector<16xi32>
    %iota3A_72 = tpu.iota {dimensions = array<i32: 0>} : vector<16xi32>
    %add3A_73 = arith.constant 272 : i32
    %add3A_74 = vector.broadcast %add3A_73 : i32 to vector<16xi32>
    %add3A_75 = arith.addi %iota3A_72, %add3A_74 : vector<16xi32>
    %iota3A_76 = tpu.iota {dimensions = array<i32: 0>} : vector<16xi32>
    %add3A_77 = arith.constant 288 : i32
    %add3A_78 = vector.broadcast %add3A_77 : i32 to vector<16xi32>
    %add3A_79 = arith.addi %iota3A_76, %add3A_78 : vector<16xi32>
    %iota3A_80 = tpu.iota {dimensions = array<i32: 0>} : vector<16xi32>
    %add3A_81 = arith.constant 304 : i32
    %add3A_82 = vector.broadcast %add3A_81 : i32 to vector<16xi32>
    %add3A_83 = arith.addi %iota3A_80, %add3A_82 : vector<16xi32>
    %iota3A_84 = tpu.iota {dimensions = array<i32: 0>} : vector<16xi32>
    %add3A_85 = arith.constant 320 : i32
    %add3A_86 = vector.broadcast %add3A_85 : i32 to vector<16xi32>
    %add3A_87 = arith.addi %iota3A_84, %add3A_86 : vector<16xi32>
    %iota3A_88 = tpu.iota {dimensions = array<i32: 0>} : vector<16xi32>
    %add3A_89 = arith.constant 336 : i32
    %add3A_90 = vector.broadcast %add3A_89 : i32 to vector<16xi32>
    %add3A_91 = arith.addi %iota3A_88, %add3A_90 : vector<16xi32>
    %iota3A_92 = tpu.iota {dimensions = array<i32: 0>} : vector<16xi32>
    %add3A_93 = arith.constant 352 : i32
    %add3A_94 = vector.broadcast %add3A_93 : i32 to vector<16xi32>
    %add3A_95 = arith.addi %iota3A_92, %add3A_94 : vector<16xi32>
    %iota3A_96 = tpu.iota {dimensions = array<i32: 0>} : vector<16xi32>
    %add3A_97 = arith.constant 368 : i32
    %add3A_98 = vector.broadcast %add3A_97 : i32 to vector<16xi32>
    %add3A_99 = arith.addi %iota3A_96, %add3A_98 : vector<16xi32>
    %iota3A_100 = tpu.iota {dimensions = array<i32: 0>} : vector<16xi32>
    %add3A_101 = arith.constant 384 : i32
    %add3A_102 = vector.broadcast %add3A_101 : i32 to vector<16xi32>
    %add3A_103 = arith.addi %iota3A_100, %add3A_102 : vector<16xi32>
    %iota3A_104 = tpu.iota {dimensions = array<i32: 0>} : vector<16xi32>
    %add3A_105 = arith.constant 400 : i32
    %add3A_106 = vector.broadcast %add3A_105 : i32 to vector<16xi32>
    %add3A_107 = arith.addi %iota3A_104, %add3A_106 : vector<16xi32>
    %iota3A_108 = tpu.iota {dimensions = array<i32: 0>} : vector<16xi32>
    %add3A_109 = arith.constant 416 : i32
    %add3A_110 = vector.broadcast %add3A_109 : i32 to vector<16xi32>
    %add3A_111 = arith.addi %iota3A_108, %add3A_110 : vector<16xi32>
    %iota3A_112 = tpu.iota {dimensions = array<i32: 0>} : vector<16xi32>
    %add3A_113 = arith.constant 432 : i32
    %add3A_114 = vector.broadcast %add3A_113 : i32 to vector<16xi32>
    %add3A_115 = arith.addi %iota3A_112, %add3A_114 : vector<16xi32>
    %iota3A_116 = tpu.iota {dimensions = array<i32: 0>} : vector<16xi32>
    %add3A_117 = arith.constant 448 : i32
    %add3A_118 = vector.broadcast %add3A_117 : i32 to vector<16xi32>
    %add3A_119 = arith.addi %iota3A_116, %add3A_118 : vector<16xi32>
    %iota3A_120 = tpu.iota {dimensions = array<i32: 0>} : vector<16xi32>
    %add3A_121 = arith.constant 464 : i32
    %add3A_122 = vector.broadcast %add3A_121 : i32 to vector<16xi32>
    %add3A_123 = arith.addi %iota3A_120, %add3A_122 : vector<16xi32>
    %iota3A_124 = tpu.iota {dimensions = array<i32: 0>} : vector<16xi32>
    %add3A_125 = arith.constant 480 : i32
    %add3A_126 = vector.broadcast %add3A_125 : i32 to vector<16xi32>
    %add3A_127 = arith.addi %iota3A_124, %add3A_126 : vector<16xi32>
    %iota3A_128 = tpu.iota {dimensions = array<i32: 0>} : vector<16xi32>
    %add3A_129 = arith.constant 496 : i32
    %add3A_130 = vector.broadcast %add3A_129 : i32 to vector<16xi32>
    %add3A_131 = arith.addi %iota3A_128, %add3A_130 : vector<16xi32>
    %dma_start3A = arith.constant 0 : i32
    %dma_start3A_132 = arith.constant 0 : i32
    %dma_start3A_133 = arith.constant 0 : i32
    %dma_start3A_134 = arith.constant 0 : i32
    %dma_start3A_135 = tpu.memref_slice %arg6[%dma_start3A_132, %dma_start3A_133, %dma_start3A_134] : memref<2x512x32xf32, #tpu.memory_space<vmem>> -> memref<1x512x32xf32, #tpu.memory_space<vmem>>
    %dma_start3A_136 = tpu.memref_squeeze %dma_start3A_135 : memref<1x512x32xf32, #tpu.memory_space<vmem>> -> memref<512x32xf32, #tpu.memory_space<vmem>>
    %dma_start3A_137 = arith.constant 0 : i32
    %dma_start3A_138 = tpu.memref_slice %arg5[%dma_start3A, %dma_start3A_137] : memref<50x512xi32, #tpu.memory_space<vmem>> -> memref<1x512xi32, #tpu.memory_space<vmem>>
    %dma_start3A_139 = tpu.memref_squeeze %dma_start3A_138 : memref<1x512xi32, #tpu.memory_space<vmem>> -> memref<512xi32, #tpu.memory_space<vmem>>
    %dma_start3A_140 = arith.constant 0 : i32
    %dma_start3A_141 = arith.constant 0 : i32
    %dma_start3A_142 = tpu.memref_slice %arg3[%dma_start3A_140, %dma_start3A_141] : memref<1000000x32xf32, #tpu.memory_space<hbm>> -> memref<1000000x32xf32, #tpu.memory_space<hbm>>
    tpu.enqueue_indirect_dma source(%dma_start3A_142 : memref<1000000x32xf32, #tpu.memory_space<hbm>>) target(%dma_start3A_136 : memref<512x32xf32, #tpu.memory_space<vmem>>) offsets(%dma_start3A_139 : memref<512xi32, #tpu.memory_space<vmem>>) semaphore(%arg8 : memref<!tpu.dma_semaphore, #tpu.memory_space<semaphore_mem>>)
    %dma_start3A_143 = arith.constant 1 : i32
    %dma_start3A_144 = arith.constant 1 : i32
    %dma_start3A_145 = arith.constant 0 : i32
    %dma_start3A_146 = arith.constant 0 : i32
    %dma_start3A_147 = tpu.memref_slice %arg6[%dma_start3A_144, %dma_start3A_145, %dma_start3A_146] : memref<2x512x32xf32, #tpu.memory_space<vmem>> -> memref<1x512x32xf32, #tpu.memory_space<vmem>>
    %dma_start3A_148 = tpu.memref_squeeze %dma_start3A_147 : memref<1x512x32xf32, #tpu.memory_space<vmem>> -> memref<512x32xf32, #tpu.memory_space<vmem>>
    %dma_start3A_149 = arith.constant 0 : i32
    %dma_start3A_150 = tpu.memref_slice %arg5[%dma_start3A_143, %dma_start3A_149] : memref<50x512xi32, #tpu.memory_space<vmem>> -> memref<1x512xi32, #tpu.memory_space<vmem>>
    %dma_start3A_151 = tpu.memref_squeeze %dma_start3A_150 : memref<1x512xi32, #tpu.memory_space<vmem>> -> memref<512xi32, #tpu.memory_space<vmem>>
    %dma_start3A_152 = arith.constant 0 : i32
    %dma_start3A_153 = arith.constant 0 : i32
    %dma_start3A_154 = tpu.memref_slice %arg3[%dma_start3A_152, %dma_start3A_153] : memref<1000000x32xf32, #tpu.memory_space<hbm>> -> memref<1000000x32xf32, #tpu.memory_space<hbm>>
    tpu.enqueue_indirect_dma source(%dma_start3A_154 : memref<1000000x32xf32, #tpu.memory_space<hbm>>) target(%dma_start3A_148 : memref<512x32xf32, #tpu.memory_space<vmem>>) offsets(%dma_start3A_151 : memref<512xi32, #tpu.memory_space<vmem>>) semaphore(%arg9 : memref<!tpu.dma_semaphore, #tpu.memory_space<semaphore_mem>>)
    %scan3A = arith.constant 0 : i32
    %scan3A_155 = arith.constant 0 : i32
    %scan3A_156 = arith.constant 25 : i32
    %scan3A_157 = arith.addi %scan3A_155, %scan3A_156 : i32
    %scan3A_158 = arith.constant 1 : i32
    scf.for %scan3A_207 = %scan3A_155 to %scan3A_157 step %scan3A_158  : i32 {
      %mul3A_208 = arith.constant 2 : i32
      %mul3A_209 = arith.muli %mul3A_208, %scan3A_207 : i32
      %dma_wait3A_210 = arith.constant 0 : i32
      %dma_wait3A_211 = arith.constant 0 : i32
      %dma_wait3A_212 = arith.constant 0 : i32
      %dma_wait3A_213 = arith.constant 0 : i32
      %dma_wait3A_214 = tpu.memref_slice %arg6[%dma_wait3A_211, %dma_wait3A_212, %dma_wait3A_213] : memref<2x512x32xf32, #tpu.memory_space<vmem>> -> memref<1x512x32xf32, #tpu.memory_space<vmem>>
      %dma_wait3A_215 = tpu.memref_squeeze %dma_wait3A_214 : memref<1x512x32xf32, #tpu.memory_space<vmem>> -> memref<512x32xf32, #tpu.memory_space<vmem>>
      %dma_wait3A_216 = arith.constant 0 : i32
      %dma_wait3A_217 = tpu.memref_slice %arg5[%dma_wait3A_210, %dma_wait3A_216] : memref<50x512xi32, #tpu.memory_space<vmem>> -> memref<1x512xi32, #tpu.memory_space<vmem>>
      %dma_wait3A_218 = tpu.memref_squeeze %dma_wait3A_217 : memref<1x512xi32, #tpu.memory_space<vmem>> -> memref<512xi32, #tpu.memory_space<vmem>>
      %dma_wait3A_219 = arith.constant 0 : i32
      %dma_wait3A_220 = arith.constant 0 : i32
      %dma_wait3A_221 = tpu.memref_slice %arg3[%dma_wait3A_219, %dma_wait3A_220] : memref<1000000x32xf32, #tpu.memory_space<hbm>> -> memref<1000000x32xf32, #tpu.memory_space<hbm>>
      tpu.wait_indirect_dma semaphore(%arg8 : memref<!tpu.dma_semaphore, #tpu.memory_space<semaphore_mem>>) src(%dma_wait3A_221 : memref<1000000x32xf32, #tpu.memory_space<hbm>>) dst(%dma_wait3A_215 : memref<512x32xf32, #tpu.memory_space<vmem>>)
      %gt3A = arith.constant 0 : i32
      %gt3A_222 = arith.cmpi sgt, %scan3A_207, %gt3A : i32
      %convert_element_type3A = arith.extui %gt3A_222 : i1 to i32
      %cond3A = arith.constant 0 : i32
      %cond3A_223 = arith.cmpi ne, %convert_element_type3A, %cond3A : i32
      scf.if %cond3A_223 {
        %dma_wait3A_314 = arith.constant 0 : i32
        %dma_wait3A_315 = arith.constant 0 : i32
        %dma_wait3A_316 = arith.constant 0 : i32
        %dma_wait3A_317 = arith.constant 0 : i32
        %dma_wait3A_318 = arith.constant 0 : i32
        %dma_wait3A_319 = arith.constant 0 : i32
        %dma_wait3A_320 = tpu.memref_slice %arg7[%dma_wait3A_314, %dma_wait3A_316, %dma_wait3A_317, %dma_wait3A_318, %dma_wait3A_319] : memref<2x4x4x8x128xf32, #tpu.memory_space<vmem>> -> memref<1x4x4x8x128xf32, #tpu.memory_space<vmem>>
        %dma_wait3A_321 = tpu.memref_squeeze %dma_wait3A_320 : memref<1x4x4x8x128xf32, #tpu.memory_space<vmem>> -> memref<4x4x8x128xf32, #tpu.memory_space<vmem>>
        %dma_wait3A_322 = arith.constant 0 : i32
        %dma_wait3A_323 = arith.constant 0 : i32
        %dma_wait3A_324 = arith.constant 0 : i32
        %dma_wait3A_325 = tpu.memref_slice %arg4[%dma_wait3A_315, %dma_wait3A_322, %mul3A_4, %dma_wait3A_323, %dma_wait3A_324] : memref<50x4x128x8x128xf32, #tpu.memory_space<hbm>> -> memref<1x4x4x8x128xf32, #tpu.memory_space<hbm>>
        %dma_wait3A_326 = tpu.memref_squeeze %dma_wait3A_325 : memref<1x4x4x8x128xf32, #tpu.memory_space<hbm>> -> memref<4x4x8x128xf32, #tpu.memory_space<hbm>>
        %dma_wait3A_327 = arith.constant 0 : i32
        %dma_wait3A_328 = arith.constant 0 : i32
        %dma_wait3A_329 = arith.constant 0 : i32
        %dma_wait3A_330 = tpu.memref_slice %arg4[%dma_wait3A_315, %dma_wait3A_327, %mul3A_4, %dma_wait3A_328, %dma_wait3A_329] : memref<50x4x128x8x128xf32, #tpu.memory_space<hbm>> -> memref<1x4x4x8x128xf32, #tpu.memory_space<hbm>>
        %dma_wait3A_331 = tpu.memref_squeeze %dma_wait3A_330 : memref<1x4x4x8x128xf32, #tpu.memory_space<hbm>> -> memref<4x4x8x128xf32, #tpu.memory_space<hbm>>
        %dma_wait3A_332 = arith.constant 0 : i32
        %dma_wait3A_333 = arith.constant 0 : i32
        %dma_wait3A_334 = arith.constant 0 : i32
        %dma_wait3A_335 = arith.constant 0 : i32
        %dma_wait3A_336 = tpu.memref_slice %arg7[%dma_wait3A_314, %dma_wait3A_332, %dma_wait3A_333, %dma_wait3A_334, %dma_wait3A_335] : memref<2x4x4x8x128xf32, #tpu.memory_space<vmem>> -> memref<1x4x4x8x128xf32, #tpu.memory_space<vmem>>
        %dma_wait3A_337 = tpu.memref_squeeze %dma_wait3A_336 : memref<1x4x4x8x128xf32, #tpu.memory_space<vmem>> -> memref<4x4x8x128xf32, #tpu.memory_space<vmem>>
        tpu.wait_dma2 semaphore(%arg10 : memref<!tpu.dma_semaphore, #tpu.memory_space<semaphore_mem>>) src(%dma_wait3A_337 : memref<4x4x8x128xf32, #tpu.memory_space<vmem>>) dst(%dma_wait3A_331 : memref<4x4x8x128xf32, #tpu.memory_space<hbm>>)
      } else {
      }
      %scan3A_224 = arith.constant 0 : i32
      %scan3A_225 = arith.constant 0 : i32
      %scan3A_226 = arith.constant 0 : i32
      %scan3A_227 = arith.constant 0 : i32
      %scan3A_228 = arith.constant 32 : i32
      %scan3A_229 = arith.addi %scan3A_227, %scan3A_228 : i32
      %scan3A_230 = arith.constant 1 : i32
      scf.for %scan3A_314 = %scan3A_227 to %scan3A_229 step %scan3A_230  : i32 {
        %jit3A = arith.constant 8 : i32
        %div3A = arith.divsi %scan3A_314, %jit3A : i32
        %sign3A = arith.constant 0 : i32
        %sign3A_315 = arith.cmpi sgt, %scan3A_314, %sign3A : i32
        %sign3A_316 = arith.extui %sign3A_315 : i1 to i32
        %sign3A_317 = arith.constant 0 : i32
        %sign3A_318 = arith.cmpi slt, %scan3A_314, %sign3A_317 : i32
        %sign3A_319 = arith.extui %sign3A_318 : i1 to i32
        %sign3A_320 = arith.subi %sign3A_316, %sign3A_319 : i32
        %sign3A_321 = arith.constant 0 : i32
        %sign3A_322 = arith.cmpi sgt, %jit3A, %sign3A_321 : i32
        %sign3A_323 = arith.extui %sign3A_322 : i1 to i32
        %sign3A_324 = arith.constant 0 : i32
        %sign3A_325 = arith.cmpi slt, %jit3A, %sign3A_324 : i32
        %sign3A_326 = arith.extui %sign3A_325 : i1 to i32
        %sign3A_327 = arith.subi %sign3A_323, %sign3A_326 : i32
        %ne3A = arith.cmpi ne, %sign3A_320, %sign3A_327 : i32
        %rem3A = arith.remsi %scan3A_314, %jit3A : i32
        %ne3A_328 = arith.constant 0 : i32
        %ne3A_329 = arith.cmpi ne, %rem3A, %ne3A_328 : i32
        %and3A = arith.andi %ne3A, %ne3A_329 : i1
        %sub3A = arith.constant 1 : i32
        %sub3A_330 = arith.subi %div3A, %sub3A : i32
        %select_n3A = arith.select %and3A, %sub3A_330, %div3A : i32
        %jit3A_331 = arith.constant 8 : i32
        %eq3A = arith.constant 0 : i32
        %eq3A_332 = arith.cmpi eq, %jit3A_331, %eq3A : i32
        %jit3A_333 = arith.constant 1 : i32
        %select_n3A_334 = arith.select %eq3A_332, %jit3A_333, %jit3A_331 : i32
        %rem3A_335 = arith.remsi %scan3A_314, %select_n3A_334 : i32
        %ne3A_336 = arith.constant 0 : i32
        %ne3A_337 = arith.cmpi ne, %rem3A_335, %ne3A_336 : i32
        %lt3A_338 = arith.constant 0 : i32
        %lt3A_339 = arith.cmpi slt, %rem3A_335, %lt3A_338 : i32
        %lt3A_340 = arith.constant 0 : i32
        %lt3A_341 = arith.cmpi slt, %select_n3A_334, %lt3A_340 : i32
        %ne3A_342 = arith.xori %lt3A_339, %lt3A_341 : i1
        %and3A_343 = arith.andi %ne3A_342, %ne3A_337 : i1
        %add3A_344 = arith.addi %rem3A_335, %select_n3A_334 : i32
        %select_n3A_345 = arith.select %and3A_343, %add3A_344, %rem3A_335 : i32
        %broadcast_in_dim3A = vector.broadcast %scan3A_314 : i32 to vector<16xi32>
        %gather3A = arith.constant 0 : i32
        %gather3A_346 = arith.constant 0 : i32
        %gather3A_347 = tpu.memref_slice %arg6[%scan3A_225, %gather3A, %gather3A_346] : memref<2x512x32xf32, #tpu.memory_space<vmem>> -> memref<1x512x32xf32, #tpu.memory_space<vmem>>
        %gather3A_348 = tpu.memref_squeeze %gather3A_347 : memref<1x512x32xf32, #tpu.memory_space<vmem>> -> memref<512x32xf32, #tpu.memory_space<vmem>>
        %gather3A_349 = tpu.vector_load_idx %gather3A_348[%add3A_7, %broadcast_in_dim3A] : memref<512x32xf32, #tpu.memory_space<vmem>>[vector<16xi32>, vector<16xi32>], vector<16xf32>,
        %gather3A_350 = arith.constant 0 : i32
        %gather3A_351 = arith.constant 0 : i32
        %gather3A_352 = tpu.memref_slice %arg6[%scan3A_225, %gather3A_350, %gather3A_351] : memref<2x512x32xf32, #tpu.memory_space<vmem>> -> memref<1x512x32xf32, #tpu.memory_space<vmem>>
        %gather3A_353 = tpu.memref_squeeze %gather3A_352 : memref<1x512x32xf32, #tpu.memory_space<vmem>> -> memref<512x32xf32, #tpu.memory_space<vmem>>
        %gather3A_354 = tpu.vector_load_idx %gather3A_353[%add3A_11, %broadcast_in_dim3A] : memref<512x32xf32, #tpu.memory_space<vmem>>[vector<16xi32>, vector<16xi32>], vector<16xf32>,
        %gather3A_355 = arith.constant 0 : i32
        %gather3A_356 = arith.constant 0 : i32
        %gather3A_357 = tpu.memref_slice %arg6[%scan3A_225, %gather3A_355, %gather3A_356] : memref<2x512x32xf32, #tpu.memory_space<vmem>> -> memref<1x512x32xf32, #tpu.memory_space<vmem>>
        %gather3A_358 = tpu.memref_squeeze %gather3A_357 : memref<1x512x32xf32, #tpu.memory_space<vmem>> -> memref<512x32xf32, #tpu.memory_space<vmem>>
        %gather3A_359 = tpu.vector_load_idx %gather3A_358[%add3A_15, %broadcast_in_dim3A] : memref<512x32xf32, #tpu.memory_space<vmem>>[vector<16xi32>, vector<16xi32>], vector<16xf32>,
        %gather3A_360 = arith.constant 0 : i32
        %gather3A_361 = arith.constant 0 : i32
        %gather3A_362 = tpu.memref_slice %arg6[%scan3A_225, %gather3A_360, %gather3A_361] : memref<2x512x32xf32, #tpu.memory_space<vmem>> -> memref<1x512x32xf32, #tpu.memory_space<vmem>>
        %gather3A_363 = tpu.memref_squeeze %gather3A_362 : memref<1x512x32xf32, #tpu.memory_space<vmem>> -> memref<512x32xf32, #tpu.memory_space<vmem>>
        %gather3A_364 = tpu.vector_load_idx %gather3A_363[%add3A_19, %broadcast_in_dim3A] : memref<512x32xf32, #tpu.memory_space<vmem>>[vector<16xi32>, vector<16xi32>], vector<16xf32>,
        %gather3A_365 = arith.constant 0 : i32
        %gather3A_366 = arith.constant 0 : i32
        %gather3A_367 = tpu.memref_slice %arg6[%scan3A_225, %gather3A_365, %gather3A_366] : memref<2x512x32xf32, #tpu.memory_space<vmem>> -> memref<1x512x32xf32, #tpu.memory_space<vmem>>
        %gather3A_368 = tpu.memref_squeeze %gather3A_367 : memref<1x512x32xf32, #tpu.memory_space<vmem>> -> memref<512x32xf32, #tpu.memory_space<vmem>>
        %gather3A_369 = tpu.vector_load_idx %gather3A_368[%add3A_23, %broadcast_in_dim3A] : memref<512x32xf32, #tpu.memory_space<vmem>>[vector<16xi32>, vector<16xi32>], vector<16xf32>,
        %gather3A_370 = arith.constant 0 : i32
        %gather3A_371 = arith.constant 0 : i32
        %gather3A_372 = tpu.memref_slice %arg6[%scan3A_225, %gather3A_370, %gather3A_371] : memref<2x512x32xf32, #tpu.memory_space<vmem>> -> memref<1x512x32xf32, #tpu.memory_space<vmem>>
        %gather3A_373 = tpu.memref_squeeze %gather3A_372 : memref<1x512x32xf32, #tpu.memory_space<vmem>> -> memref<512x32xf32, #tpu.memory_space<vmem>>
        %gather3A_374 = tpu.vector_load_idx %gather3A_373[%add3A_27, %broadcast_in_dim3A] : memref<512x32xf32, #tpu.memory_space<vmem>>[vector<16xi32>, vector<16xi32>], vector<16xf32>,
        %gather3A_375 = arith.constant 0 : i32
        %gather3A_376 = arith.constant 0 : i32
        %gather3A_377 = tpu.memref_slice %arg6[%scan3A_225, %gather3A_375, %gather3A_376] : memref<2x512x32xf32, #tpu.memory_space<vmem>> -> memref<1x512x32xf32, #tpu.memory_space<vmem>>
        %gather3A_378 = tpu.memref_squeeze %gather3A_377 : memref<1x512x32xf32, #tpu.memory_space<vmem>> -> memref<512x32xf32, #tpu.memory_space<vmem>>
        %gather3A_379 = tpu.vector_load_idx %gather3A_378[%add3A_31, %broadcast_in_dim3A] : memref<512x32xf32, #tpu.memory_space<vmem>>[vector<16xi32>, vector<16xi32>], vector<16xf32>,
        %gather3A_380 = arith.constant 0 : i32
        %gather3A_381 = arith.constant 0 : i32
        %gather3A_382 = tpu.memref_slice %arg6[%scan3A_225, %gather3A_380, %gather3A_381] : memref<2x512x32xf32, #tpu.memory_space<vmem>> -> memref<1x512x32xf32, #tpu.memory_space<vmem>>
        %gather3A_383 = tpu.memref_squeeze %gather3A_382 : memref<1x512x32xf32, #tpu.memory_space<vmem>> -> memref<512x32xf32, #tpu.memory_space<vmem>>
        %gather3A_384 = tpu.vector_load_idx %gather3A_383[%add3A_35, %broadcast_in_dim3A] : memref<512x32xf32, #tpu.memory_space<vmem>>[vector<16xi32>, vector<16xi32>], vector<16xf32>,
        %gather3A_385 = arith.constant 0 : i32
        %gather3A_386 = arith.constant 0 : i32
        %gather3A_387 = tpu.memref_slice %arg6[%scan3A_225, %gather3A_385, %gather3A_386] : memref<2x512x32xf32, #tpu.memory_space<vmem>> -> memref<1x512x32xf32, #tpu.memory_space<vmem>>
        %gather3A_388 = tpu.memref_squeeze %gather3A_387 : memref<1x512x32xf32, #tpu.memory_space<vmem>> -> memref<512x32xf32, #tpu.memory_space<vmem>>
        %gather3A_389 = tpu.vector_load_idx %gather3A_388[%add3A_39, %broadcast_in_dim3A] : memref<512x32xf32, #tpu.memory_space<vmem>>[vector<16xi32>, vector<16xi32>], vector<16xf32>,
        %gather3A_390 = arith.constant 0 : i32
        %gather3A_391 = arith.constant 0 : i32
        %gather3A_392 = tpu.memref_slice %arg6[%scan3A_225, %gather3A_390, %gather3A_391] : memref<2x512x32xf32, #tpu.memory_space<vmem>> -> memref<1x512x32xf32, #tpu.memory_space<vmem>>
        %gather3A_393 = tpu.memref_squeeze %gather3A_392 : memref<1x512x32xf32, #tpu.memory_space<vmem>> -> memref<512x32xf32, #tpu.memory_space<vmem>>
        %gather3A_394 = tpu.vector_load_idx %gather3A_393[%add3A_43, %broadcast_in_dim3A] : memref<512x32xf32, #tpu.memory_space<vmem>>[vector<16xi32>, vector<16xi32>], vector<16xf32>,
        %gather3A_395 = arith.constant 0 : i32
        %gather3A_396 = arith.constant 0 : i32
        %gather3A_397 = tpu.memref_slice %arg6[%scan3A_225, %gather3A_395, %gather3A_396] : memref<2x512x32xf32, #tpu.memory_space<vmem>> -> memref<1x512x32xf32, #tpu.memory_space<vmem>>
        %gather3A_398 = tpu.memref_squeeze %gather3A_397 : memref<1x512x32xf32, #tpu.memory_space<vmem>> -> memref<512x32xf32, #tpu.memory_space<vmem>>
        %gather3A_399 = tpu.vector_load_idx %gather3A_398[%add3A_47, %broadcast_in_dim3A] : memref<512x32xf32, #tpu.memory_space<vmem>>[vector<16xi32>, vector<16xi32>], vector<16xf32>,
        %gather3A_400 = arith.constant 0 : i32
        %gather3A_401 = arith.constant 0 : i32
        %gather3A_402 = tpu.memref_slice %arg6[%scan3A_225, %gather3A_400, %gather3A_401] : memref<2x512x32xf32, #tpu.memory_space<vmem>> -> memref<1x512x32xf32, #tpu.memory_space<vmem>>
        %gather3A_403 = tpu.memref_squeeze %gather3A_402 : memref<1x512x32xf32, #tpu.memory_space<vmem>> -> memref<512x32xf32, #tpu.memory_space<vmem>>
        %gather3A_404 = tpu.vector_load_idx %gather3A_403[%add3A_51, %broadcast_in_dim3A] : memref<512x32xf32, #tpu.memory_space<vmem>>[vector<16xi32>, vector<16xi32>], vector<16xf32>,
        %gather3A_405 = arith.constant 0 : i32
        %gather3A_406 = arith.constant 0 : i32
        %gather3A_407 = tpu.memref_slice %arg6[%scan3A_225, %gather3A_405, %gather3A_406] : memref<2x512x32xf32, #tpu.memory_space<vmem>> -> memref<1x512x32xf32, #tpu.memory_space<vmem>>
        %gather3A_408 = tpu.memref_squeeze %gather3A_407 : memref<1x512x32xf32, #tpu.memory_space<vmem>> -> memref<512x32xf32, #tpu.memory_space<vmem>>
        %gather3A_409 = tpu.vector_load_idx %gather3A_408[%add3A_55, %broadcast_in_dim3A] : memref<512x32xf32, #tpu.memory_space<vmem>>[vector<16xi32>, vector<16xi32>], vector<16xf32>,
        %gather3A_410 = arith.constant 0 : i32
        %gather3A_411 = arith.constant 0 : i32
        %gather3A_412 = tpu.memref_slice %arg6[%scan3A_225, %gather3A_410, %gather3A_411] : memref<2x512x32xf32, #tpu.memory_space<vmem>> -> memref<1x512x32xf32, #tpu.memory_space<vmem>>
        %gather3A_413 = tpu.memref_squeeze %gather3A_412 : memref<1x512x32xf32, #tpu.memory_space<vmem>> -> memref<512x32xf32, #tpu.memory_space<vmem>>
        %gather3A_414 = tpu.vector_load_idx %gather3A_413[%add3A_59, %broadcast_in_dim3A] : memref<512x32xf32, #tpu.memory_space<vmem>>[vector<16xi32>, vector<16xi32>], vector<16xf32>,
        %gather3A_415 = arith.constant 0 : i32
        %gather3A_416 = arith.constant 0 : i32
        %gather3A_417 = tpu.memref_slice %arg6[%scan3A_225, %gather3A_415, %gather3A_416] : memref<2x512x32xf32, #tpu.memory_space<vmem>> -> memref<1x512x32xf32, #tpu.memory_space<vmem>>
        %gather3A_418 = tpu.memref_squeeze %gather3A_417 : memref<1x512x32xf32, #tpu.memory_space<vmem>> -> memref<512x32xf32, #tpu.memory_space<vmem>>
        %gather3A_419 = tpu.vector_load_idx %gather3A_418[%add3A_63, %broadcast_in_dim3A] : memref<512x32xf32, #tpu.memory_space<vmem>>[vector<16xi32>, vector<16xi32>], vector<16xf32>,
        %gather3A_420 = arith.constant 0 : i32
        %gather3A_421 = arith.constant 0 : i32
        %gather3A_422 = tpu.memref_slice %arg6[%scan3A_225, %gather3A_420, %gather3A_421] : memref<2x512x32xf32, #tpu.memory_space<vmem>> -> memref<1x512x32xf32, #tpu.memory_space<vmem>>
        %gather3A_423 = tpu.memref_squeeze %gather3A_422 : memref<1x512x32xf32, #tpu.memory_space<vmem>> -> memref<512x32xf32, #tpu.memory_space<vmem>>
        %gather3A_424 = tpu.vector_load_idx %gather3A_423[%add3A_67, %broadcast_in_dim3A] : memref<512x32xf32, #tpu.memory_space<vmem>>[vector<16xi32>, vector<16xi32>], vector<16xf32>,
        %gather3A_425 = arith.constant 0 : i32
        %gather3A_426 = arith.constant 0 : i32
        %gather3A_427 = tpu.memref_slice %arg6[%scan3A_225, %gather3A_425, %gather3A_426] : memref<2x512x32xf32, #tpu.memory_space<vmem>> -> memref<1x512x32xf32, #tpu.memory_space<vmem>>
        %gather3A_428 = tpu.memref_squeeze %gather3A_427 : memref<1x512x32xf32, #tpu.memory_space<vmem>> -> memref<512x32xf32, #tpu.memory_space<vmem>>
        %gather3A_429 = tpu.vector_load_idx %gather3A_428[%add3A_71, %broadcast_in_dim3A] : memref<512x32xf32, #tpu.memory_space<vmem>>[vector<16xi32>, vector<16xi32>], vector<16xf32>,
        %gather3A_430 = arith.constant 0 : i32
        %gather3A_431 = arith.constant 0 : i32
        %gather3A_432 = tpu.memref_slice %arg6[%scan3A_225, %gather3A_430, %gather3A_431] : memref<2x512x32xf32, #tpu.memory_space<vmem>> -> memref<1x512x32xf32, #tpu.memory_space<vmem>>
        %gather3A_433 = tpu.memref_squeeze %gather3A_432 : memref<1x512x32xf32, #tpu.memory_space<vmem>> -> memref<512x32xf32, #tpu.memory_space<vmem>>
        %gather3A_434 = tpu.vector_load_idx %gather3A_433[%add3A_75, %broadcast_in_dim3A] : memref<512x32xf32, #tpu.memory_space<vmem>>[vector<16xi32>, vector<16xi32>], vector<16xf32>,
        %gather3A_435 = arith.constant 0 : i32
        %gather3A_436 = arith.constant 0 : i32
        %gather3A_437 = tpu.memref_slice %arg6[%scan3A_225, %gather3A_435, %gather3A_436] : memref<2x512x32xf32, #tpu.memory_space<vmem>> -> memref<1x512x32xf32, #tpu.memory_space<vmem>>
        %gather3A_438 = tpu.memref_squeeze %gather3A_437 : memref<1x512x32xf32, #tpu.memory_space<vmem>> -> memref<512x32xf32, #tpu.memory_space<vmem>>
        %gather3A_439 = tpu.vector_load_idx %gather3A_438[%add3A_79, %broadcast_in_dim3A] : memref<512x32xf32, #tpu.memory_space<vmem>>[vector<16xi32>, vector<16xi32>], vector<16xf32>,
        %gather3A_440 = arith.constant 0 : i32
        %gather3A_441 = arith.constant 0 : i32
        %gather3A_442 = tpu.memref_slice %arg6[%scan3A_225, %gather3A_440, %gather3A_441] : memref<2x512x32xf32, #tpu.memory_space<vmem>> -> memref<1x512x32xf32, #tpu.memory_space<vmem>>
        %gather3A_443 = tpu.memref_squeeze %gather3A_442 : memref<1x512x32xf32, #tpu.memory_space<vmem>> -> memref<512x32xf32, #tpu.memory_space<vmem>>
        %gather3A_444 = tpu.vector_load_idx %gather3A_443[%add3A_83, %broadcast_in_dim3A] : memref<512x32xf32, #tpu.memory_space<vmem>>[vector<16xi32>, vector<16xi32>], vector<16xf32>,
        %gather3A_445 = arith.constant 0 : i32
        %gather3A_446 = arith.constant 0 : i32
        %gather3A_447 = tpu.memref_slice %arg6[%scan3A_225, %gather3A_445, %gather3A_446] : memref<2x512x32xf32, #tpu.memory_space<vmem>> -> memref<1x512x32xf32, #tpu.memory_space<vmem>>
        %gather3A_448 = tpu.memref_squeeze %gather3A_447 : memref<1x512x32xf32, #tpu.memory_space<vmem>> -> memref<512x32xf32, #tpu.memory_space<vmem>>
        %gather3A_449 = tpu.vector_load_idx %gather3A_448[%add3A_87, %broadcast_in_dim3A] : memref<512x32xf32, #tpu.memory_space<vmem>>[vector<16xi32>, vector<16xi32>], vector<16xf32>,
        %gather3A_450 = arith.constant 0 : i32
        %gather3A_451 = arith.constant 0 : i32
        %gather3A_452 = tpu.memref_slice %arg6[%scan3A_225, %gather3A_450, %gather3A_451] : memref<2x512x32xf32, #tpu.memory_space<vmem>> -> memref<1x512x32xf32, #tpu.memory_space<vmem>>
        %gather3A_453 = tpu.memref_squeeze %gather3A_452 : memref<1x512x32xf32, #tpu.memory_space<vmem>> -> memref<512x32xf32, #tpu.memory_space<vmem>>
        %gather3A_454 = tpu.vector_load_idx %gather3A_453[%add3A_91, %broadcast_in_dim3A] : memref<512x32xf32, #tpu.memory_space<vmem>>[vector<16xi32>, vector<16xi32>], vector<16xf32>,
        %gather3A_455 = arith.constant 0 : i32
        %gather3A_456 = arith.constant 0 : i32
        %gather3A_457 = tpu.memref_slice %arg6[%scan3A_225, %gather3A_455, %gather3A_456] : memref<2x512x32xf32, #tpu.memory_space<vmem>> -> memref<1x512x32xf32, #tpu.memory_space<vmem>>
        %gather3A_458 = tpu.memref_squeeze %gather3A_457 : memref<1x512x32xf32, #tpu.memory_space<vmem>> -> memref<512x32xf32, #tpu.memory_space<vmem>>
        %gather3A_459 = tpu.vector_load_idx %gather3A_458[%add3A_95, %broadcast_in_dim3A] : memref<512x32xf32, #tpu.memory_space<vmem>>[vector<16xi32>, vector<16xi32>], vector<16xf32>,
        %gather3A_460 = arith.constant 0 : i32
        %gather3A_461 = arith.constant 0 : i32
        %gather3A_462 = tpu.memref_slice %arg6[%scan3A_225, %gather3A_460, %gather3A_461] : memref<2x512x32xf32, #tpu.memory_space<vmem>> -> memref<1x512x32xf32, #tpu.memory_space<vmem>>
        %gather3A_463 = tpu.memref_squeeze %gather3A_462 : memref<1x512x32xf32, #tpu.memory_space<vmem>> -> memref<512x32xf32, #tpu.memory_space<vmem>>
        %gather3A_464 = tpu.vector_load_idx %gather3A_463[%add3A_99, %broadcast_in_dim3A] : memref<512x32xf32, #tpu.memory_space<vmem>>[vector<16xi32>, vector<16xi32>], vector<16xf32>,
        %gather3A_465 = arith.constant 0 : i32
        %gather3A_466 = arith.constant 0 : i32
        %gather3A_467 = tpu.memref_slice %arg6[%scan3A_225, %gather3A_465, %gather3A_466] : memref<2x512x32xf32, #tpu.memory_space<vmem>> -> memref<1x512x32xf32, #tpu.memory_space<vmem>>
        %gather3A_468 = tpu.memref_squeeze %gather3A_467 : memref<1x512x32xf32, #tpu.memory_space<vmem>> -> memref<512x32xf32, #tpu.memory_space<vmem>>
        %gather3A_469 = tpu.vector_load_idx %gather3A_468[%add3A_103, %broadcast_in_dim3A] : memref<512x32xf32, #tpu.memory_space<vmem>>[vector<16xi32>, vector<16xi32>], vector<16xf32>,
        %gather3A_470 = arith.constant 0 : i32
        %gather3A_471 = arith.constant 0 : i32
        %gather3A_472 = tpu.memref_slice %arg6[%scan3A_225, %gather3A_470, %gather3A_471] : memref<2x512x32xf32, #tpu.memory_space<vmem>> -> memref<1x512x32xf32, #tpu.memory_space<vmem>>
        %gather3A_473 = tpu.memref_squeeze %gather3A_472 : memref<1x512x32xf32, #tpu.memory_space<vmem>> -> memref<512x32xf32, #tpu.memory_space<vmem>>
        %gather3A_474 = tpu.vector_load_idx %gather3A_473[%add3A_107, %broadcast_in_dim3A] : memref<512x32xf32, #tpu.memory_space<vmem>>[vector<16xi32>, vector<16xi32>], vector<16xf32>,
        %gather3A_475 = arith.constant 0 : i32
        %gather3A_476 = arith.constant 0 : i32
        %gather3A_477 = tpu.memref_slice %arg6[%scan3A_225, %gather3A_475, %gather3A_476] : memref<2x512x32xf32, #tpu.memory_space<vmem>> -> memref<1x512x32xf32, #tpu.memory_space<vmem>>
        %gather3A_478 = tpu.memref_squeeze %gather3A_477 : memref<1x512x32xf32, #tpu.memory_space<vmem>> -> memref<512x32xf32, #tpu.memory_space<vmem>>
        %gather3A_479 = tpu.vector_load_idx %gather3A_478[%add3A_111, %broadcast_in_dim3A] : memref<512x32xf32, #tpu.memory_space<vmem>>[vector<16xi32>, vector<16xi32>], vector<16xf32>,
        %gather3A_480 = arith.constant 0 : i32
        %gather3A_481 = arith.constant 0 : i32
        %gather3A_482 = tpu.memref_slice %arg6[%scan3A_225, %gather3A_480, %gather3A_481] : memref<2x512x32xf32, #tpu.memory_space<vmem>> -> memref<1x512x32xf32, #tpu.memory_space<vmem>>
        %gather3A_483 = tpu.memref_squeeze %gather3A_482 : memref<1x512x32xf32, #tpu.memory_space<vmem>> -> memref<512x32xf32, #tpu.memory_space<vmem>>
        %gather3A_484 = tpu.vector_load_idx %gather3A_483[%add3A_115, %broadcast_in_dim3A] : memref<512x32xf32, #tpu.memory_space<vmem>>[vector<16xi32>, vector<16xi32>], vector<16xf32>,
        %gather3A_485 = arith.constant 0 : i32
        %gather3A_486 = arith.constant 0 : i32
        %gather3A_487 = tpu.memref_slice %arg6[%scan3A_225, %gather3A_485, %gather3A_486] : memref<2x512x32xf32, #tpu.memory_space<vmem>> -> memref<1x512x32xf32, #tpu.memory_space<vmem>>
        %gather3A_488 = tpu.memref_squeeze %gather3A_487 : memref<1x512x32xf32, #tpu.memory_space<vmem>> -> memref<512x32xf32, #tpu.memory_space<vmem>>
        %gather3A_489 = tpu.vector_load_idx %gather3A_488[%add3A_119, %broadcast_in_dim3A] : memref<512x32xf32, #tpu.memory_space<vmem>>[vector<16xi32>, vector<16xi32>], vector<16xf32>,
        %gather3A_490 = arith.constant 0 : i32
        %gather3A_491 = arith.constant 0 : i32
        %gather3A_492 = tpu.memref_slice %arg6[%scan3A_225, %gather3A_490, %gather3A_491] : memref<2x512x32xf32, #tpu.memory_space<vmem>> -> memref<1x512x32xf32, #tpu.memory_space<vmem>>
        %gather3A_493 = tpu.memref_squeeze %gather3A_492 : memref<1x512x32xf32, #tpu.memory_space<vmem>> -> memref<512x32xf32, #tpu.memory_space<vmem>>
        %gather3A_494 = tpu.vector_load_idx %gather3A_493[%add3A_123, %broadcast_in_dim3A] : memref<512x32xf32, #tpu.memory_space<vmem>>[vector<16xi32>, vector<16xi32>], vector<16xf32>,
        %gather3A_495 = arith.constant 0 : i32
        %gather3A_496 = arith.constant 0 : i32
        %gather3A_497 = tpu.memref_slice %arg6[%scan3A_225, %gather3A_495, %gather3A_496] : memref<2x512x32xf32, #tpu.memory_space<vmem>> -> memref<1x512x32xf32, #tpu.memory_space<vmem>>
        %gather3A_498 = tpu.memref_squeeze %gather3A_497 : memref<1x512x32xf32, #tpu.memory_space<vmem>> -> memref<512x32xf32, #tpu.memory_space<vmem>>
        %gather3A_499 = tpu.vector_load_idx %gather3A_498[%add3A_127, %broadcast_in_dim3A] : memref<512x32xf32, #tpu.memory_space<vmem>>[vector<16xi32>, vector<16xi32>], vector<16xf32>,
        %gather3A_500 = arith.constant 0 : i32
        %gather3A_501 = arith.constant 0 : i32
        %gather3A_502 = tpu.memref_slice %arg6[%scan3A_225, %gather3A_500, %gather3A_501] : memref<2x512x32xf32, #tpu.memory_space<vmem>> -> memref<1x512x32xf32, #tpu.memory_space<vmem>>
        %gather3A_503 = tpu.memref_squeeze %gather3A_502 : memref<1x512x32xf32, #tpu.memory_space<vmem>> -> memref<512x32xf32, #tpu.memory_space<vmem>>
        %gather3A_504 = tpu.vector_load_idx %gather3A_503[%add3A_131, %broadcast_in_dim3A] : memref<512x32xf32, #tpu.memory_space<vmem>>[vector<16xi32>, vector<16xi32>], vector<16xf32>,
        %swap3A = arith.constant 0 : i32
        %swap3A_505 = arith.constant 0 : i32
        %swap3A_506 = arith.constant 0 : i32
        %swap3A_507 = arith.constant 0 : i32
        %swap3A_508 = arith.constant 0 : i32
        %swap3A_509 = tpu.memref_slice %arg7[%scan3A_226, %swap3A_505, %swap3A_506, %swap3A_507, %swap3A_508] : memref<2x4x4x8x128xf32, #tpu.memory_space<vmem>> -> memref<1x4x4x8x128xf32, #tpu.memory_space<vmem>>
        %swap3A_510 = tpu.memref_squeeze %swap3A_509 : memref<1x4x4x8x128xf32, #tpu.memory_space<vmem>> -> memref<4x4x8x128xf32, #tpu.memory_space<vmem>>
        %swap3A_511 = arith.index_cast %select_n3A : i32 to index
        %swap3A_512 = arith.index_cast %swap3A : i32 to index
        %swap3A_513 = arith.index_cast %select_n3A_345 : i32 to index
        %swap3A_514 = arith.constant 0 : index
        %swap3A_515 = tpu.vector_load %swap3A_510[%swap3A_511, %swap3A_512, %swap3A_513, %swap3A_514] {strides = array<i32>} : memref<4x4x8x128xf32, #tpu.memory_space<vmem>>, vector<16xf32>,
        tpu.vector_store %swap3A_510[%swap3A_511, %swap3A_512, %swap3A_513, %swap3A_514], %gather3A_349 {strides = array<i32>} : memref<4x4x8x128xf32, #tpu.memory_space<vmem>>, vector<16xf32>,
        %swap3A_516 = arith.constant 0 : i32
        %swap3A_517 = arith.constant 0 : i32
        %swap3A_518 = arith.constant 0 : i32
        %swap3A_519 = arith.constant 0 : i32
        %swap3A_520 = arith.constant 0 : i32
        %swap3A_521 = tpu.memref_slice %arg7[%scan3A_226, %swap3A_517, %swap3A_518, %swap3A_519, %swap3A_520] : memref<2x4x4x8x128xf32, #tpu.memory_space<vmem>> -> memref<1x4x4x8x128xf32, #tpu.memory_space<vmem>>
        %swap3A_522 = tpu.memref_squeeze %swap3A_521 : memref<1x4x4x8x128xf32, #tpu.memory_space<vmem>> -> memref<4x4x8x128xf32, #tpu.memory_space<vmem>>
        %swap3A_523 = arith.index_cast %select_n3A : i32 to index
        %swap3A_524 = arith.index_cast %swap3A_516 : i32 to index
        %swap3A_525 = arith.index_cast %select_n3A_345 : i32 to index
        %swap3A_526 = arith.constant 16 : index
        %swap3A_527 = tpu.vector_load %swap3A_522[%swap3A_523, %swap3A_524, %swap3A_525, %swap3A_526] {strides = array<i32>} : memref<4x4x8x128xf32, #tpu.memory_space<vmem>>, vector<16xf32>,
        tpu.vector_store %swap3A_522[%swap3A_523, %swap3A_524, %swap3A_525, %swap3A_526], %gather3A_354 {strides = array<i32>} : memref<4x4x8x128xf32, #tpu.memory_space<vmem>>, vector<16xf32>,
        %swap3A_528 = arith.constant 0 : i32
        %swap3A_529 = arith.constant 0 : i32
        %swap3A_530 = arith.constant 0 : i32
        %swap3A_531 = arith.constant 0 : i32
        %swap3A_532 = arith.constant 0 : i32
        %swap3A_533 = tpu.memref_slice %arg7[%scan3A_226, %swap3A_529, %swap3A_530, %swap3A_531, %swap3A_532] : memref<2x4x4x8x128xf32, #tpu.memory_space<vmem>> -> memref<1x4x4x8x128xf32, #tpu.memory_space<vmem>>
        %swap3A_534 = tpu.memref_squeeze %swap3A_533 : memref<1x4x4x8x128xf32, #tpu.memory_space<vmem>> -> memref<4x4x8x128xf32, #tpu.memory_space<vmem>>
        %swap3A_535 = arith.index_cast %select_n3A : i32 to index
        %swap3A_536 = arith.index_cast %swap3A_528 : i32 to index
        %swap3A_537 = arith.index_cast %select_n3A_345 : i32 to index
        %swap3A_538 = arith.constant 32 : index
        %swap3A_539 = tpu.vector_load %swap3A_534[%swap3A_535, %swap3A_536, %swap3A_537, %swap3A_538] {strides = array<i32>} : memref<4x4x8x128xf32, #tpu.memory_space<vmem>>, vector<16xf32>,
        tpu.vector_store %swap3A_534[%swap3A_535, %swap3A_536, %swap3A_537, %swap3A_538], %gather3A_359 {strides = array<i32>} : memref<4x4x8x128xf32, #tpu.memory_space<vmem>>, vector<16xf32>,
        %swap3A_540 = arith.constant 0 : i32
        %swap3A_541 = arith.constant 0 : i32
        %swap3A_542 = arith.constant 0 : i32
        %swap3A_543 = arith.constant 0 : i32
        %swap3A_544 = arith.constant 0 : i32
        %swap3A_545 = tpu.memref_slice %arg7[%scan3A_226, %swap3A_541, %swap3A_542, %swap3A_543, %swap3A_544] : memref<2x4x4x8x128xf32, #tpu.memory_space<vmem>> -> memref<1x4x4x8x128xf32, #tpu.memory_space<vmem>>
        %swap3A_546 = tpu.memref_squeeze %swap3A_545 : memref<1x4x4x8x128xf32, #tpu.memory_space<vmem>> -> memref<4x4x8x128xf32, #tpu.memory_space<vmem>>
        %swap3A_547 = arith.index_cast %select_n3A : i32 to index
        %swap3A_548 = arith.index_cast %swap3A_540 : i32 to index
        %swap3A_549 = arith.index_cast %select_n3A_345 : i32 to index
        %swap3A_550 = arith.constant 48 : index
        %swap3A_551 = tpu.vector_load %swap3A_546[%swap3A_547, %swap3A_548, %swap3A_549, %swap3A_550] {strides = array<i32>} : memref<4x4x8x128xf32, #tpu.memory_space<vmem>>, vector<16xf32>,
        tpu.vector_store %swap3A_546[%swap3A_547, %swap3A_548, %swap3A_549, %swap3A_550], %gather3A_364 {strides = array<i32>} : memref<4x4x8x128xf32, #tpu.memory_space<vmem>>, vector<16xf32>,
        %swap3A_552 = arith.constant 0 : i32
        %swap3A_553 = arith.constant 0 : i32
        %swap3A_554 = arith.constant 0 : i32
        %swap3A_555 = arith.constant 0 : i32
        %swap3A_556 = arith.constant 0 : i32
        %swap3A_557 = tpu.memref_slice %arg7[%scan3A_226, %swap3A_553, %swap3A_554, %swap3A_555, %swap3A_556] : memref<2x4x4x8x128xf32, #tpu.memory_space<vmem>> -> memref<1x4x4x8x128xf32, #tpu.memory_space<vmem>>
        %swap3A_558 = tpu.memref_squeeze %swap3A_557 : memref<1x4x4x8x128xf32, #tpu.memory_space<vmem>> -> memref<4x4x8x128xf32, #tpu.memory_space<vmem>>
        %swap3A_559 = arith.index_cast %select_n3A : i32 to index
        %swap3A_560 = arith.index_cast %swap3A_552 : i32 to index
        %swap3A_561 = arith.index_cast %select_n3A_345 : i32 to index
        %swap3A_562 = arith.constant 64 : index
        %swap3A_563 = tpu.vector_load %swap3A_558[%swap3A_559, %swap3A_560, %swap3A_561, %swap3A_562] {strides = array<i32>} : memref<4x4x8x128xf32, #tpu.memory_space<vmem>>, vector<16xf32>,
        tpu.vector_store %swap3A_558[%swap3A_559, %swap3A_560, %swap3A_561, %swap3A_562], %gather3A_369 {strides = array<i32>} : memref<4x4x8x128xf32, #tpu.memory_space<vmem>>, vector<16xf32>,
        %swap3A_564 = arith.constant 0 : i32
        %swap3A_565 = arith.constant 0 : i32
        %swap3A_566 = arith.constant 0 : i32
        %swap3A_567 = arith.constant 0 : i32
        %swap3A_568 = arith.constant 0 : i32
        %swap3A_569 = tpu.memref_slice %arg7[%scan3A_226, %swap3A_565, %swap3A_566, %swap3A_567, %swap3A_568] : memref<2x4x4x8x128xf32, #tpu.memory_space<vmem>> -> memref<1x4x4x8x128xf32, #tpu.memory_space<vmem>>
        %swap3A_570 = tpu.memref_squeeze %swap3A_569 : memref<1x4x4x8x128xf32, #tpu.memory_space<vmem>> -> memref<4x4x8x128xf32, #tpu.memory_space<vmem>>
        %swap3A_571 = arith.index_cast %select_n3A : i32 to index
        %swap3A_572 = arith.index_cast %swap3A_564 : i32 to index
        %swap3A_573 = arith.index_cast %select_n3A_345 : i32 to index
        %swap3A_574 = arith.constant 80 : index
        %swap3A_575 = tpu.vector_load %swap3A_570[%swap3A_571, %swap3A_572, %swap3A_573, %swap3A_574] {strides = array<i32>} : memref<4x4x8x128xf32, #tpu.memory_space<vmem>>, vector<16xf32>,
        tpu.vector_store %swap3A_570[%swap3A_571, %swap3A_572, %swap3A_573, %swap3A_574], %gather3A_374 {strides = array<i32>} : memref<4x4x8x128xf32, #tpu.memory_space<vmem>>, vector<16xf32>,
        %swap3A_576 = arith.constant 0 : i32
        %swap3A_577 = arith.constant 0 : i32
        %swap3A_578 = arith.constant 0 : i32
        %swap3A_579 = arith.constant 0 : i32
        %swap3A_580 = arith.constant 0 : i32
        %swap3A_581 = tpu.memref_slice %arg7[%scan3A_226, %swap3A_577, %swap3A_578, %swap3A_579, %swap3A_580] : memref<2x4x4x8x128xf32, #tpu.memory_space<vmem>> -> memref<1x4x4x8x128xf32, #tpu.memory_space<vmem>>
        %swap3A_582 = tpu.memref_squeeze %swap3A_581 : memref<1x4x4x8x128xf32, #tpu.memory_space<vmem>> -> memref<4x4x8x128xf32, #tpu.memory_space<vmem>>
        %swap3A_583 = arith.index_cast %select_n3A : i32 to index
        %swap3A_584 = arith.index_cast %swap3A_576 : i32 to index
        %swap3A_585 = arith.index_cast %select_n3A_345 : i32 to index
        %swap3A_586 = arith.constant 96 : index
        %swap3A_587 = tpu.vector_load %swap3A_582[%swap3A_583, %swap3A_584, %swap3A_585, %swap3A_586] {strides = array<i32>} : memref<4x4x8x128xf32, #tpu.memory_space<vmem>>, vector<16xf32>,
        tpu.vector_store %swap3A_582[%swap3A_583, %swap3A_584, %swap3A_585, %swap3A_586], %gather3A_379 {strides = array<i32>} : memref<4x4x8x128xf32, #tpu.memory_space<vmem>>, vector<16xf32>,
        %swap3A_588 = arith.constant 0 : i32
        %swap3A_589 = arith.constant 0 : i32
        %swap3A_590 = arith.constant 0 : i32
        %swap3A_591 = arith.constant 0 : i32
        %swap3A_592 = arith.constant 0 : i32
        %swap3A_593 = tpu.memref_slice %arg7[%scan3A_226, %swap3A_589, %swap3A_590, %swap3A_591, %swap3A_592] : memref<2x4x4x8x128xf32, #tpu.memory_space<vmem>> -> memref<1x4x4x8x128xf32, #tpu.memory_space<vmem>>
        %swap3A_594 = tpu.memref_squeeze %swap3A_593 : memref<1x4x4x8x128xf32, #tpu.memory_space<vmem>> -> memref<4x4x8x128xf32, #tpu.memory_space<vmem>>
        %swap3A_595 = arith.index_cast %select_n3A : i32 to index
        %swap3A_596 = arith.index_cast %swap3A_588 : i32 to index
        %swap3A_597 = arith.index_cast %select_n3A_345 : i32 to index
        %swap3A_598 = arith.constant 112 : index
        %swap3A_599 = tpu.vector_load %swap3A_594[%swap3A_595, %swap3A_596, %swap3A_597, %swap3A_598] {strides = array<i32>} : memref<4x4x8x128xf32, #tpu.memory_space<vmem>>, vector<16xf32>,
        tpu.vector_store %swap3A_594[%swap3A_595, %swap3A_596, %swap3A_597, %swap3A_598], %gather3A_384 {strides = array<i32>} : memref<4x4x8x128xf32, #tpu.memory_space<vmem>>, vector<16xf32>,
        %swap3A_600 = arith.constant 1 : i32
        %swap3A_601 = arith.constant 0 : i32
        %swap3A_602 = arith.constant 0 : i32
        %swap3A_603 = arith.constant 0 : i32
        %swap3A_604 = arith.constant 0 : i32
        %swap3A_605 = tpu.memref_slice %arg7[%scan3A_226, %swap3A_601, %swap3A_602, %swap3A_603, %swap3A_604] : memref<2x4x4x8x128xf32, #tpu.memory_space<vmem>> -> memref<1x4x4x8x128xf32, #tpu.memory_space<vmem>>
        %swap3A_606 = tpu.memref_squeeze %swap3A_605 : memref<1x4x4x8x128xf32, #tpu.memory_space<vmem>> -> memref<4x4x8x128xf32, #tpu.memory_space<vmem>>
        %swap3A_607 = arith.index_cast %select_n3A : i32 to index
        %swap3A_608 = arith.index_cast %swap3A_600 : i32 to index
        %swap3A_609 = arith.index_cast %select_n3A_345 : i32 to index
        %swap3A_610 = arith.constant 0 : index
        %swap3A_611 = tpu.vector_load %swap3A_606[%swap3A_607, %swap3A_608, %swap3A_609, %swap3A_610] {strides = array<i32>} : memref<4x4x8x128xf32, #tpu.memory_space<vmem>>, vector<16xf32>,
        tpu.vector_store %swap3A_606[%swap3A_607, %swap3A_608, %swap3A_609, %swap3A_610], %gather3A_389 {strides = array<i32>} : memref<4x4x8x128xf32, #tpu.memory_space<vmem>>, vector<16xf32>,
        %swap3A_612 = arith.constant 1 : i32
        %swap3A_613 = arith.constant 0 : i32
        %swap3A_614 = arith.constant 0 : i32
        %swap3A_615 = arith.constant 0 : i32
        %swap3A_616 = arith.constant 0 : i32
        %swap3A_617 = tpu.memref_slice %arg7[%scan3A_226, %swap3A_613, %swap3A_614, %swap3A_615, %swap3A_616] : memref<2x4x4x8x128xf32, #tpu.memory_space<vmem>> -> memref<1x4x4x8x128xf32, #tpu.memory_space<vmem>>
        %swap3A_618 = tpu.memref_squeeze %swap3A_617 : memref<1x4x4x8x128xf32, #tpu.memory_space<vmem>> -> memref<4x4x8x128xf32, #tpu.memory_space<vmem>>
        %swap3A_619 = arith.index_cast %select_n3A : i32 to index
        %swap3A_620 = arith.index_cast %swap3A_612 : i32 to index
        %swap3A_621 = arith.index_cast %select_n3A_345 : i32 to index
        %swap3A_622 = arith.constant 16 : index
        %swap3A_623 = tpu.vector_load %swap3A_618[%swap3A_619, %swap3A_620, %swap3A_621, %swap3A_622] {strides = array<i32>} : memref<4x4x8x128xf32, #tpu.memory_space<vmem>>, vector<16xf32>,
        tpu.vector_store %swap3A_618[%swap3A_619, %swap3A_620, %swap3A_621, %swap3A_622], %gather3A_394 {strides = array<i32>} : memref<4x4x8x128xf32, #tpu.memory_space<vmem>>, vector<16xf32>,
        %swap3A_624 = arith.constant 1 : i32
        %swap3A_625 = arith.constant 0 : i32
        %swap3A_626 = arith.constant 0 : i32
        %swap3A_627 = arith.constant 0 : i32
        %swap3A_628 = arith.constant 0 : i32
        %swap3A_629 = tpu.memref_slice %arg7[%scan3A_226, %swap3A_625, %swap3A_626, %swap3A_627, %swap3A_628] : memref<2x4x4x8x128xf32, #tpu.memory_space<vmem>> -> memref<1x4x4x8x128xf32, #tpu.memory_space<vmem>>
        %swap3A_630 = tpu.memref_squeeze %swap3A_629 : memref<1x4x4x8x128xf32, #tpu.memory_space<vmem>> -> memref<4x4x8x128xf32, #tpu.memory_space<vmem>>
        %swap3A_631 = arith.index_cast %select_n3A : i32 to index
        %swap3A_632 = arith.index_cast %swap3A_624 : i32 to index
        %swap3A_633 = arith.index_cast %select_n3A_345 : i32 to index
        %swap3A_634 = arith.constant 32 : index
        %swap3A_635 = tpu.vector_load %swap3A_630[%swap3A_631, %swap3A_632, %swap3A_633, %swap3A_634] {strides = array<i32>} : memref<4x4x8x128xf32, #tpu.memory_space<vmem>>, vector<16xf32>,
        tpu.vector_store %swap3A_630[%swap3A_631, %swap3A_632, %swap3A_633, %swap3A_634], %gather3A_399 {strides = array<i32>} : memref<4x4x8x128xf32, #tpu.memory_space<vmem>>, vector<16xf32>,
        %swap3A_636 = arith.constant 1 : i32
        %swap3A_637 = arith.constant 0 : i32
        %swap3A_638 = arith.constant 0 : i32
        %swap3A_639 = arith.constant 0 : i32
        %swap3A_640 = arith.constant 0 : i32
        %swap3A_641 = tpu.memref_slice %arg7[%scan3A_226, %swap3A_637, %swap3A_638, %swap3A_639, %swap3A_640] : memref<2x4x4x8x128xf32, #tpu.memory_space<vmem>> -> memref<1x4x4x8x128xf32, #tpu.memory_space<vmem>>
        %swap3A_642 = tpu.memref_squeeze %swap3A_641 : memref<1x4x4x8x128xf32, #tpu.memory_space<vmem>> -> memref<4x4x8x128xf32, #tpu.memory_space<vmem>>
        %swap3A_643 = arith.index_cast %select_n3A : i32 to index
        %swap3A_644 = arith.index_cast %swap3A_636 : i32 to index
        %swap3A_645 = arith.index_cast %select_n3A_345 : i32 to index
        %swap3A_646 = arith.constant 48 : index
        %swap3A_647 = tpu.vector_load %swap3A_642[%swap3A_643, %swap3A_644, %swap3A_645, %swap3A_646] {strides = array<i32>} : memref<4x4x8x128xf32, #tpu.memory_space<vmem>>, vector<16xf32>,
        tpu.vector_store %swap3A_642[%swap3A_643, %swap3A_644, %swap3A_645, %swap3A_646], %gather3A_404 {strides = array<i32>} : memref<4x4x8x128xf32, #tpu.memory_space<vmem>>, vector<16xf32>,
        %swap3A_648 = arith.constant 1 : i32
        %swap3A_649 = arith.constant 0 : i32
        %swap3A_650 = arith.constant 0 : i32
        %swap3A_651 = arith.constant 0 : i32
        %swap3A_652 = arith.constant 0 : i32
        %swap3A_653 = tpu.memref_slice %arg7[%scan3A_226, %swap3A_649, %swap3A_650, %swap3A_651, %swap3A_652] : memref<2x4x4x8x128xf32, #tpu.memory_space<vmem>> -> memref<1x4x4x8x128xf32, #tpu.memory_space<vmem>>
        %swap3A_654 = tpu.memref_squeeze %swap3A_653 : memref<1x4x4x8x128xf32, #tpu.memory_space<vmem>> -> memref<4x4x8x128xf32, #tpu.memory_space<vmem>>
        %swap3A_655 = arith.index_cast %select_n3A : i32 to index
        %swap3A_656 = arith.index_cast %swap3A_648 : i32 to index
        %swap3A_657 = arith.index_cast %select_n3A_345 : i32 to index
        %swap3A_658 = arith.constant 64 : index
        %swap3A_659 = tpu.vector_load %swap3A_654[%swap3A_655, %swap3A_656, %swap3A_657, %swap3A_658] {strides = array<i32>} : memref<4x4x8x128xf32, #tpu.memory_space<vmem>>, vector<16xf32>,
        tpu.vector_store %swap3A_654[%swap3A_655, %swap3A_656, %swap3A_657, %swap3A_658], %gather3A_409 {strides = array<i32>} : memref<4x4x8x128xf32, #tpu.memory_space<vmem>>, vector<16xf32>,
        %swap3A_660 = arith.constant 1 : i32
        %swap3A_661 = arith.constant 0 : i32
        %swap3A_662 = arith.constant 0 : i32
        %swap3A_663 = arith.constant 0 : i32
        %swap3A_664 = arith.constant 0 : i32
        %swap3A_665 = tpu.memref_slice %arg7[%scan3A_226, %swap3A_661, %swap3A_662, %swap3A_663, %swap3A_664] : memref<2x4x4x8x128xf32, #tpu.memory_space<vmem>> -> memref<1x4x4x8x128xf32, #tpu.memory_space<vmem>>
        %swap3A_666 = tpu.memref_squeeze %swap3A_665 : memref<1x4x4x8x128xf32, #tpu.memory_space<vmem>> -> memref<4x4x8x128xf32, #tpu.memory_space<vmem>>
        %swap3A_667 = arith.index_cast %select_n3A : i32 to index
        %swap3A_668 = arith.index_cast %swap3A_660 : i32 to index
        %swap3A_669 = arith.index_cast %select_n3A_345 : i32 to index
        %swap3A_670 = arith.constant 80 : index
        %swap3A_671 = tpu.vector_load %swap3A_666[%swap3A_667, %swap3A_668, %swap3A_669, %swap3A_670] {strides = array<i32>} : memref<4x4x8x128xf32, #tpu.memory_space<vmem>>, vector<16xf32>,
        tpu.vector_store %swap3A_666[%swap3A_667, %swap3A_668, %swap3A_669, %swap3A_670], %gather3A_414 {strides = array<i32>} : memref<4x4x8x128xf32, #tpu.memory_space<vmem>>, vector<16xf32>,
        %swap3A_672 = arith.constant 1 : i32
        %swap3A_673 = arith.constant 0 : i32
        %swap3A_674 = arith.constant 0 : i32
        %swap3A_675 = arith.constant 0 : i32
        %swap3A_676 = arith.constant 0 : i32
        %swap3A_677 = tpu.memref_slice %arg7[%scan3A_226, %swap3A_673, %swap3A_674, %swap3A_675, %swap3A_676] : memref<2x4x4x8x128xf32, #tpu.memory_space<vmem>> -> memref<1x4x4x8x128xf32, #tpu.memory_space<vmem>>
        %swap3A_678 = tpu.memref_squeeze %swap3A_677 : memref<1x4x4x8x128xf32, #tpu.memory_space<vmem>> -> memref<4x4x8x128xf32, #tpu.memory_space<vmem>>
        %swap3A_679 = arith.index_cast %select_n3A : i32 to index
        %swap3A_680 = arith.index_cast %swap3A_672 : i32 to index
        %swap3A_681 = arith.index_cast %select_n3A_345 : i32 to index
        %swap3A_682 = arith.constant 96 : index
        %swap3A_683 = tpu.vector_load %swap3A_678[%swap3A_679, %swap3A_680, %swap3A_681, %swap3A_682] {strides = array<i32>} : memref<4x4x8x128xf32, #tpu.memory_space<vmem>>, vector<16xf32>,
        tpu.vector_store %swap3A_678[%swap3A_679, %swap3A_680, %swap3A_681, %swap3A_682], %gather3A_419 {strides = array<i32>} : memref<4x4x8x128xf32, #tpu.memory_space<vmem>>, vector<16xf32>,
        %swap3A_684 = arith.constant 1 : i32
        %swap3A_685 = arith.constant 0 : i32
        %swap3A_686 = arith.constant 0 : i32
        %swap3A_687 = arith.constant 0 : i32
        %swap3A_688 = arith.constant 0 : i32
        %swap3A_689 = tpu.memref_slice %arg7[%scan3A_226, %swap3A_685, %swap3A_686, %swap3A_687, %swap3A_688] : memref<2x4x4x8x128xf32, #tpu.memory_space<vmem>> -> memref<1x4x4x8x128xf32, #tpu.memory_space<vmem>>
        %swap3A_690 = tpu.memref_squeeze %swap3A_689 : memref<1x4x4x8x128xf32, #tpu.memory_space<vmem>> -> memref<4x4x8x128xf32, #tpu.memory_space<vmem>>
        %swap3A_691 = arith.index_cast %select_n3A : i32 to index
        %swap3A_692 = arith.index_cast %swap3A_684 : i32 to index
        %swap3A_693 = arith.index_cast %select_n3A_345 : i32 to index
        %swap3A_694 = arith.constant 112 : index
        %swap3A_695 = tpu.vector_load %swap3A_690[%swap3A_691, %swap3A_692, %swap3A_693, %swap3A_694] {strides = array<i32>} : memref<4x4x8x128xf32, #tpu.memory_space<vmem>>, vector<16xf32>,
        tpu.vector_store %swap3A_690[%swap3A_691, %swap3A_692, %swap3A_693, %swap3A_694], %gather3A_424 {strides = array<i32>} : memref<4x4x8x128xf32, #tpu.memory_space<vmem>>, vector<16xf32>,
        %swap3A_696 = arith.constant 2 : i32
        %swap3A_697 = arith.constant 0 : i32
        %swap3A_698 = arith.constant 0 : i32
        %swap3A_699 = arith.constant 0 : i32
        %swap3A_700 = arith.constant 0 : i32
        %swap3A_701 = tpu.memref_slice %arg7[%scan3A_226, %swap3A_697, %swap3A_698, %swap3A_699, %swap3A_700] : memref<2x4x4x8x128xf32, #tpu.memory_space<vmem>> -> memref<1x4x4x8x128xf32, #tpu.memory_space<vmem>>
        %swap3A_702 = tpu.memref_squeeze %swap3A_701 : memref<1x4x4x8x128xf32, #tpu.memory_space<vmem>> -> memref<4x4x8x128xf32, #tpu.memory_space<vmem>>
        %swap3A_703 = arith.index_cast %select_n3A : i32 to index
        %swap3A_704 = arith.index_cast %swap3A_696 : i32 to index
        %swap3A_705 = arith.index_cast %select_n3A_345 : i32 to index
        %swap3A_706 = arith.constant 0 : index
        %swap3A_707 = tpu.vector_load %swap3A_702[%swap3A_703, %swap3A_704, %swap3A_705, %swap3A_706] {strides = array<i32>} : memref<4x4x8x128xf32, #tpu.memory_space<vmem>>, vector<16xf32>,
        tpu.vector_store %swap3A_702[%swap3A_703, %swap3A_704, %swap3A_705, %swap3A_706], %gather3A_429 {strides = array<i32>} : memref<4x4x8x128xf32, #tpu.memory_space<vmem>>, vector<16xf32>,
        %swap3A_708 = arith.constant 2 : i32
        %swap3A_709 = arith.constant 0 : i32
        %swap3A_710 = arith.constant 0 : i32
        %swap3A_711 = arith.constant 0 : i32
        %swap3A_712 = arith.constant 0 : i32
        %swap3A_713 = tpu.memref_slice %arg7[%scan3A_226, %swap3A_709, %swap3A_710, %swap3A_711, %swap3A_712] : memref<2x4x4x8x128xf32, #tpu.memory_space<vmem>> -> memref<1x4x4x8x128xf32, #tpu.memory_space<vmem>>
        %swap3A_714 = tpu.memref_squeeze %swap3A_713 : memref<1x4x4x8x128xf32, #tpu.memory_space<vmem>> -> memref<4x4x8x128xf32, #tpu.memory_space<vmem>>
        %swap3A_715 = arith.index_cast %select_n3A : i32 to index
        %swap3A_716 = arith.index_cast %swap3A_708 : i32 to index
        %swap3A_717 = arith.index_cast %select_n3A_345 : i32 to index
        %swap3A_718 = arith.constant 16 : index
        %swap3A_719 = tpu.vector_load %swap3A_714[%swap3A_715, %swap3A_716, %swap3A_717, %swap3A_718] {strides = array<i32>} : memref<4x4x8x128xf32, #tpu.memory_space<vmem>>, vector<16xf32>,
        tpu.vector_store %swap3A_714[%swap3A_715, %swap3A_716, %swap3A_717, %swap3A_718], %gather3A_434 {strides = array<i32>} : memref<4x4x8x128xf32, #tpu.memory_space<vmem>>, vector<16xf32>,
        %swap3A_720 = arith.constant 2 : i32
        %swap3A_721 = arith.constant 0 : i32
        %swap3A_722 = arith.constant 0 : i32
        %swap3A_723 = arith.constant 0 : i32
        %swap3A_724 = arith.constant 0 : i32
        %swap3A_725 = tpu.memref_slice %arg7[%scan3A_226, %swap3A_721, %swap3A_722, %swap3A_723, %swap3A_724] : memref<2x4x4x8x128xf32, #tpu.memory_space<vmem>> -> memref<1x4x4x8x128xf32, #tpu.memory_space<vmem>>
        %swap3A_726 = tpu.memref_squeeze %swap3A_725 : memref<1x4x4x8x128xf32, #tpu.memory_space<vmem>> -> memref<4x4x8x128xf32, #tpu.memory_space<vmem>>
        %swap3A_727 = arith.index_cast %select_n3A : i32 to index
        %swap3A_728 = arith.index_cast %swap3A_720 : i32 to index
        %swap3A_729 = arith.index_cast %select_n3A_345 : i32 to index
        %swap3A_730 = arith.constant 32 : index
        %swap3A_731 = tpu.vector_load %swap3A_726[%swap3A_727, %swap3A_728, %swap3A_729, %swap3A_730] {strides = array<i32>} : memref<4x4x8x128xf32, #tpu.memory_space<vmem>>, vector<16xf32>,
        tpu.vector_store %swap3A_726[%swap3A_727, %swap3A_728, %swap3A_729, %swap3A_730], %gather3A_439 {strides = array<i32>} : memref<4x4x8x128xf32, #tpu.memory_space<vmem>>, vector<16xf32>,
        %swap3A_732 = arith.constant 2 : i32
        %swap3A_733 = arith.constant 0 : i32
        %swap3A_734 = arith.constant 0 : i32
        %swap3A_735 = arith.constant 0 : i32
        %swap3A_736 = arith.constant 0 : i32
        %swap3A_737 = tpu.memref_slice %arg7[%scan3A_226, %swap3A_733, %swap3A_734, %swap3A_735, %swap3A_736] : memref<2x4x4x8x128xf32, #tpu.memory_space<vmem>> -> memref<1x4x4x8x128xf32, #tpu.memory_space<vmem>>
        %swap3A_738 = tpu.memref_squeeze %swap3A_737 : memref<1x4x4x8x128xf32, #tpu.memory_space<vmem>> -> memref<4x4x8x128xf32, #tpu.memory_space<vmem>>
        %swap3A_739 = arith.index_cast %select_n3A : i32 to index
        %swap3A_740 = arith.index_cast %swap3A_732 : i32 to index
        %swap3A_741 = arith.index_cast %select_n3A_345 : i32 to index
        %swap3A_742 = arith.constant 48 : index
        %swap3A_743 = tpu.vector_load %swap3A_738[%swap3A_739, %swap3A_740, %swap3A_741, %swap3A_742] {strides = array<i32>} : memref<4x4x8x128xf32, #tpu.memory_space<vmem>>, vector<16xf32>,
        tpu.vector_store %swap3A_738[%swap3A_739, %swap3A_740, %swap3A_741, %swap3A_742], %gather3A_444 {strides = array<i32>} : memref<4x4x8x128xf32, #tpu.memory_space<vmem>>, vector<16xf32>,
        %swap3A_744 = arith.constant 2 : i32
        %swap3A_745 = arith.constant 0 : i32
        %swap3A_746 = arith.constant 0 : i32
        %swap3A_747 = arith.constant 0 : i32
        %swap3A_748 = arith.constant 0 : i32
        %swap3A_749 = tpu.memref_slice %arg7[%scan3A_226, %swap3A_745, %swap3A_746, %swap3A_747, %swap3A_748] : memref<2x4x4x8x128xf32, #tpu.memory_space<vmem>> -> memref<1x4x4x8x128xf32, #tpu.memory_space<vmem>>
        %swap3A_750 = tpu.memref_squeeze %swap3A_749 : memref<1x4x4x8x128xf32, #tpu.memory_space<vmem>> -> memref<4x4x8x128xf32, #tpu.memory_space<vmem>>
        %swap3A_751 = arith.index_cast %select_n3A : i32 to index
        %swap3A_752 = arith.index_cast %swap3A_744 : i32 to index
        %swap3A_753 = arith.index_cast %select_n3A_345 : i32 to index
        %swap3A_754 = arith.constant 64 : index
        %swap3A_755 = tpu.vector_load %swap3A_750[%swap3A_751, %swap3A_752, %swap3A_753, %swap3A_754] {strides = array<i32>} : memref<4x4x8x128xf32, #tpu.memory_space<vmem>>, vector<16xf32>,
        tpu.vector_store %swap3A_750[%swap3A_751, %swap3A_752, %swap3A_753, %swap3A_754], %gather3A_449 {strides = array<i32>} : memref<4x4x8x128xf32, #tpu.memory_space<vmem>>, vector<16xf32>,
        %swap3A_756 = arith.constant 2 : i32
        %swap3A_757 = arith.constant 0 : i32
        %swap3A_758 = arith.constant 0 : i32
        %swap3A_759 = arith.constant 0 : i32
        %swap3A_760 = arith.constant 0 : i32
        %swap3A_761 = tpu.memref_slice %arg7[%scan3A_226, %swap3A_757, %swap3A_758, %swap3A_759, %swap3A_760] : memref<2x4x4x8x128xf32, #tpu.memory_space<vmem>> -> memref<1x4x4x8x128xf32, #tpu.memory_space<vmem>>
        %swap3A_762 = tpu.memref_squeeze %swap3A_761 : memref<1x4x4x8x128xf32, #tpu.memory_space<vmem>> -> memref<4x4x8x128xf32, #tpu.memory_space<vmem>>
        %swap3A_763 = arith.index_cast %select_n3A : i32 to index
        %swap3A_764 = arith.index_cast %swap3A_756 : i32 to index
        %swap3A_765 = arith.index_cast %select_n3A_345 : i32 to index
        %swap3A_766 = arith.constant 80 : index
        %swap3A_767 = tpu.vector_load %swap3A_762[%swap3A_763, %swap3A_764, %swap3A_765, %swap3A_766] {strides = array<i32>} : memref<4x4x8x128xf32, #tpu.memory_space<vmem>>, vector<16xf32>,
        tpu.vector_store %swap3A_762[%swap3A_763, %swap3A_764, %swap3A_765, %swap3A_766], %gather3A_454 {strides = array<i32>} : memref<4x4x8x128xf32, #tpu.memory_space<vmem>>, vector<16xf32>,
        %swap3A_768 = arith.constant 2 : i32
        %swap3A_769 = arith.constant 0 : i32
        %swap3A_770 = arith.constant 0 : i32
        %swap3A_771 = arith.constant 0 : i32
        %swap3A_772 = arith.constant 0 : i32
        %swap3A_773 = tpu.memref_slice %arg7[%scan3A_226, %swap3A_769, %swap3A_770, %swap3A_771, %swap3A_772] : memref<2x4x4x8x128xf32, #tpu.memory_space<vmem>> -> memref<1x4x4x8x128xf32, #tpu.memory_space<vmem>>
        %swap3A_774 = tpu.memref_squeeze %swap3A_773 : memref<1x4x4x8x128xf32, #tpu.memory_space<vmem>> -> memref<4x4x8x128xf32, #tpu.memory_space<vmem>>
        %swap3A_775 = arith.index_cast %select_n3A : i32 to index
        %swap3A_776 = arith.index_cast %swap3A_768 : i32 to index
        %swap3A_777 = arith.index_cast %select_n3A_345 : i32 to index
        %swap3A_778 = arith.constant 96 : index
        %swap3A_779 = tpu.vector_load %swap3A_774[%swap3A_775, %swap3A_776, %swap3A_777, %swap3A_778] {strides = array<i32>} : memref<4x4x8x128xf32, #tpu.memory_space<vmem>>, vector<16xf32>,
        tpu.vector_store %swap3A_774[%swap3A_775, %swap3A_776, %swap3A_777, %swap3A_778], %gather3A_459 {strides = array<i32>} : memref<4x4x8x128xf32, #tpu.memory_space<vmem>>, vector<16xf32>,
        %swap3A_780 = arith.constant 2 : i32
        %swap3A_781 = arith.constant 0 : i32
        %swap3A_782 = arith.constant 0 : i32
        %swap3A_783 = arith.constant 0 : i32
        %swap3A_784 = arith.constant 0 : i32
        %swap3A_785 = tpu.memref_slice %arg7[%scan3A_226, %swap3A_781, %swap3A_782, %swap3A_783, %swap3A_784] : memref<2x4x4x8x128xf32, #tpu.memory_space<vmem>> -> memref<1x4x4x8x128xf32, #tpu.memory_space<vmem>>
        %swap3A_786 = tpu.memref_squeeze %swap3A_785 : memref<1x4x4x8x128xf32, #tpu.memory_space<vmem>> -> memref<4x4x8x128xf32, #tpu.memory_space<vmem>>
        %swap3A_787 = arith.index_cast %select_n3A : i32 to index
        %swap3A_788 = arith.index_cast %swap3A_780 : i32 to index
        %swap3A_789 = arith.index_cast %select_n3A_345 : i32 to index
        %swap3A_790 = arith.constant 112 : index
        %swap3A_791 = tpu.vector_load %swap3A_786[%swap3A_787, %swap3A_788, %swap3A_789, %swap3A_790] {strides = array<i32>} : memref<4x4x8x128xf32, #tpu.memory_space<vmem>>, vector<16xf32>,
        tpu.vector_store %swap3A_786[%swap3A_787, %swap3A_788, %swap3A_789, %swap3A_790], %gather3A_464 {strides = array<i32>} : memref<4x4x8x128xf32, #tpu.memory_space<vmem>>, vector<16xf32>,
        %swap3A_792 = arith.constant 3 : i32
        %swap3A_793 = arith.constant 0 : i32
        %swap3A_794 = arith.constant 0 : i32
        %swap3A_795 = arith.constant 0 : i32
        %swap3A_796 = arith.constant 0 : i32
        %swap3A_797 = tpu.memref_slice %arg7[%scan3A_226, %swap3A_793, %swap3A_794, %swap3A_795, %swap3A_796] : memref<2x4x4x8x128xf32, #tpu.memory_space<vmem>> -> memref<1x4x4x8x128xf32, #tpu.memory_space<vmem>>
        %swap3A_798 = tpu.memref_squeeze %swap3A_797 : memref<1x4x4x8x128xf32, #tpu.memory_space<vmem>> -> memref<4x4x8x128xf32, #tpu.memory_space<vmem>>
        %swap3A_799 = arith.index_cast %select_n3A : i32 to index
        %swap3A_800 = arith.index_cast %swap3A_792 : i32 to index
        %swap3A_801 = arith.index_cast %select_n3A_345 : i32 to index
        %swap3A_802 = arith.constant 0 : index
        %swap3A_803 = tpu.vector_load %swap3A_798[%swap3A_799, %swap3A_800, %swap3A_801, %swap3A_802] {strides = array<i32>} : memref<4x4x8x128xf32, #tpu.memory_space<vmem>>, vector<16xf32>,
        tpu.vector_store %swap3A_798[%swap3A_799, %swap3A_800, %swap3A_801, %swap3A_802], %gather3A_469 {strides = array<i32>} : memref<4x4x8x128xf32, #tpu.memory_space<vmem>>, vector<16xf32>,
        %swap3A_804 = arith.constant 3 : i32
        %swap3A_805 = arith.constant 0 : i32
        %swap3A_806 = arith.constant 0 : i32
        %swap3A_807 = arith.constant 0 : i32
        %swap3A_808 = arith.constant 0 : i32
        %swap3A_809 = tpu.memref_slice %arg7[%scan3A_226, %swap3A_805, %swap3A_806, %swap3A_807, %swap3A_808] : memref<2x4x4x8x128xf32, #tpu.memory_space<vmem>> -> memref<1x4x4x8x128xf32, #tpu.memory_space<vmem>>
        %swap3A_810 = tpu.memref_squeeze %swap3A_809 : memref<1x4x4x8x128xf32, #tpu.memory_space<vmem>> -> memref<4x4x8x128xf32, #tpu.memory_space<vmem>>
        %swap3A_811 = arith.index_cast %select_n3A : i32 to index
        %swap3A_812 = arith.index_cast %swap3A_804 : i32 to index
        %swap3A_813 = arith.index_cast %select_n3A_345 : i32 to index
        %swap3A_814 = arith.constant 16 : index
        %swap3A_815 = tpu.vector_load %swap3A_810[%swap3A_811, %swap3A_812, %swap3A_813, %swap3A_814] {strides = array<i32>} : memref<4x4x8x128xf32, #tpu.memory_space<vmem>>, vector<16xf32>,
        tpu.vector_store %swap3A_810[%swap3A_811, %swap3A_812, %swap3A_813, %swap3A_814], %gather3A_474 {strides = array<i32>} : memref<4x4x8x128xf32, #tpu.memory_space<vmem>>, vector<16xf32>,
        %swap3A_816 = arith.constant 3 : i32
        %swap3A_817 = arith.constant 0 : i32
        %swap3A_818 = arith.constant 0 : i32
        %swap3A_819 = arith.constant 0 : i32
        %swap3A_820 = arith.constant 0 : i32
        %swap3A_821 = tpu.memref_slice %arg7[%scan3A_226, %swap3A_817, %swap3A_818, %swap3A_819, %swap3A_820] : memref<2x4x4x8x128xf32, #tpu.memory_space<vmem>> -> memref<1x4x4x8x128xf32, #tpu.memory_space<vmem>>
        %swap3A_822 = tpu.memref_squeeze %swap3A_821 : memref<1x4x4x8x128xf32, #tpu.memory_space<vmem>> -> memref<4x4x8x128xf32, #tpu.memory_space<vmem>>
        %swap3A_823 = arith.index_cast %select_n3A : i32 to index
        %swap3A_824 = arith.index_cast %swap3A_816 : i32 to index
        %swap3A_825 = arith.index_cast %select_n3A_345 : i32 to index
        %swap3A_826 = arith.constant 32 : index
        %swap3A_827 = tpu.vector_load %swap3A_822[%swap3A_823, %swap3A_824, %swap3A_825, %swap3A_826] {strides = array<i32>} : memref<4x4x8x128xf32, #tpu.memory_space<vmem>>, vector<16xf32>,
        tpu.vector_store %swap3A_822[%swap3A_823, %swap3A_824, %swap3A_825, %swap3A_826], %gather3A_479 {strides = array<i32>} : memref<4x4x8x128xf32, #tpu.memory_space<vmem>>, vector<16xf32>,
        %swap3A_828 = arith.constant 3 : i32
        %swap3A_829 = arith.constant 0 : i32
        %swap3A_830 = arith.constant 0 : i32
        %swap3A_831 = arith.constant 0 : i32
        %swap3A_832 = arith.constant 0 : i32
        %swap3A_833 = tpu.memref_slice %arg7[%scan3A_226, %swap3A_829, %swap3A_830, %swap3A_831, %swap3A_832] : memref<2x4x4x8x128xf32, #tpu.memory_space<vmem>> -> memref<1x4x4x8x128xf32, #tpu.memory_space<vmem>>
        %swap3A_834 = tpu.memref_squeeze %swap3A_833 : memref<1x4x4x8x128xf32, #tpu.memory_space<vmem>> -> memref<4x4x8x128xf32, #tpu.memory_space<vmem>>
        %swap3A_835 = arith.index_cast %select_n3A : i32 to index
        %swap3A_836 = arith.index_cast %swap3A_828 : i32 to index
        %swap3A_837 = arith.index_cast %select_n3A_345 : i32 to index
        %swap3A_838 = arith.constant 48 : index
        %swap3A_839 = tpu.vector_load %swap3A_834[%swap3A_835, %swap3A_836, %swap3A_837, %swap3A_838] {strides = array<i32>} : memref<4x4x8x128xf32, #tpu.memory_space<vmem>>, vector<16xf32>,
        tpu.vector_store %swap3A_834[%swap3A_835, %swap3A_836, %swap3A_837, %swap3A_838], %gather3A_484 {strides = array<i32>} : memref<4x4x8x128xf32, #tpu.memory_space<vmem>>, vector<16xf32>,
        %swap3A_840 = arith.constant 3 : i32
        %swap3A_841 = arith.constant 0 : i32
        %swap3A_842 = arith.constant 0 : i32
        %swap3A_843 = arith.constant 0 : i32
        %swap3A_844 = arith.constant 0 : i32
        %swap3A_845 = tpu.memref_slice %arg7[%scan3A_226, %swap3A_841, %swap3A_842, %swap3A_843, %swap3A_844] : memref<2x4x4x8x128xf32, #tpu.memory_space<vmem>> -> memref<1x4x4x8x128xf32, #tpu.memory_space<vmem>>
        %swap3A_846 = tpu.memref_squeeze %swap3A_845 : memref<1x4x4x8x128xf32, #tpu.memory_space<vmem>> -> memref<4x4x8x128xf32, #tpu.memory_space<vmem>>
        %swap3A_847 = arith.index_cast %select_n3A : i32 to index
        %swap3A_848 = arith.index_cast %swap3A_840 : i32 to index
        %swap3A_849 = arith.index_cast %select_n3A_345 : i32 to index
        %swap3A_850 = arith.constant 64 : index
        %swap3A_851 = tpu.vector_load %swap3A_846[%swap3A_847, %swap3A_848, %swap3A_849, %swap3A_850] {strides = array<i32>} : memref<4x4x8x128xf32, #tpu.memory_space<vmem>>, vector<16xf32>,
        tpu.vector_store %swap3A_846[%swap3A_847, %swap3A_848, %swap3A_849, %swap3A_850], %gather3A_489 {strides = array<i32>} : memref<4x4x8x128xf32, #tpu.memory_space<vmem>>, vector<16xf32>,
        %swap3A_852 = arith.constant 3 : i32
        %swap3A_853 = arith.constant 0 : i32
        %swap3A_854 = arith.constant 0 : i32
        %swap3A_855 = arith.constant 0 : i32
        %swap3A_856 = arith.constant 0 : i32
        %swap3A_857 = tpu.memref_slice %arg7[%scan3A_226, %swap3A_853, %swap3A_854, %swap3A_855, %swap3A_856] : memref<2x4x4x8x128xf32, #tpu.memory_space<vmem>> -> memref<1x4x4x8x128xf32, #tpu.memory_space<vmem>>
        %swap3A_858 = tpu.memref_squeeze %swap3A_857 : memref<1x4x4x8x128xf32, #tpu.memory_space<vmem>> -> memref<4x4x8x128xf32, #tpu.memory_space<vmem>>
        %swap3A_859 = arith.index_cast %select_n3A : i32 to index
        %swap3A_860 = arith.index_cast %swap3A_852 : i32 to index
        %swap3A_861 = arith.index_cast %select_n3A_345 : i32 to index
        %swap3A_862 = arith.constant 80 : index
        %swap3A_863 = tpu.vector_load %swap3A_858[%swap3A_859, %swap3A_860, %swap3A_861, %swap3A_862] {strides = array<i32>} : memref<4x4x8x128xf32, #tpu.memory_space<vmem>>, vector<16xf32>,
        tpu.vector_store %swap3A_858[%swap3A_859, %swap3A_860, %swap3A_861, %swap3A_862], %gather3A_494 {strides = array<i32>} : memref<4x4x8x128xf32, #tpu.memory_space<vmem>>, vector<16xf32>,
        %swap3A_864 = arith.constant 3 : i32
        %swap3A_865 = arith.constant 0 : i32
        %swap3A_866 = arith.constant 0 : i32
        %swap3A_867 = arith.constant 0 : i32
        %swap3A_868 = arith.constant 0 : i32
        %swap3A_869 = tpu.memref_slice %arg7[%scan3A_226, %swap3A_865, %swap3A_866, %swap3A_867, %swap3A_868] : memref<2x4x4x8x128xf32, #tpu.memory_space<vmem>> -> memref<1x4x4x8x128xf32, #tpu.memory_space<vmem>>
        %swap3A_870 = tpu.memref_squeeze %swap3A_869 : memref<1x4x4x8x128xf32, #tpu.memory_space<vmem>> -> memref<4x4x8x128xf32, #tpu.memory_space<vmem>>
        %swap3A_871 = arith.index_cast %select_n3A : i32 to index
        %swap3A_872 = arith.index_cast %swap3A_864 : i32 to index
        %swap3A_873 = arith.index_cast %select_n3A_345 : i32 to index
        %swap3A_874 = arith.constant 96 : index
        %swap3A_875 = tpu.vector_load %swap3A_870[%swap3A_871, %swap3A_872, %swap3A_873, %swap3A_874] {strides = array<i32>} : memref<4x4x8x128xf32, #tpu.memory_space<vmem>>, vector<16xf32>,
        tpu.vector_store %swap3A_870[%swap3A_871, %swap3A_872, %swap3A_873, %swap3A_874], %gather3A_499 {strides = array<i32>} : memref<4x4x8x128xf32, #tpu.memory_space<vmem>>, vector<16xf32>,
        %swap3A_876 = arith.constant 3 : i32
        %swap3A_877 = arith.constant 0 : i32
        %swap3A_878 = arith.constant 0 : i32
        %swap3A_879 = arith.constant 0 : i32
        %swap3A_880 = arith.constant 0 : i32
        %swap3A_881 = tpu.memref_slice %arg7[%scan3A_226, %swap3A_877, %swap3A_878, %swap3A_879, %swap3A_880] : memref<2x4x4x8x128xf32, #tpu.memory_space<vmem>> -> memref<1x4x4x8x128xf32, #tpu.memory_space<vmem>>
        %swap3A_882 = tpu.memref_squeeze %swap3A_881 : memref<1x4x4x8x128xf32, #tpu.memory_space<vmem>> -> memref<4x4x8x128xf32, #tpu.memory_space<vmem>>
        %swap3A_883 = arith.index_cast %select_n3A : i32 to index
        %swap3A_884 = arith.index_cast %swap3A_876 : i32 to index
        %swap3A_885 = arith.index_cast %select_n3A_345 : i32 to index
        %swap3A_886 = arith.constant 112 : index
        %swap3A_887 = tpu.vector_load %swap3A_882[%swap3A_883, %swap3A_884, %swap3A_885, %swap3A_886] {strides = array<i32>} : memref<4x4x8x128xf32, #tpu.memory_space<vmem>>, vector<16xf32>,
        tpu.vector_store %swap3A_882[%swap3A_883, %swap3A_884, %swap3A_885, %swap3A_886], %gather3A_504 {strides = array<i32>} : memref<4x4x8x128xf32, #tpu.memory_space<vmem>>, vector<16xf32>,
      }
      %scan3A_231 = arith.constant 32 : i32
      %dma_start3A_232 = arith.constant 0 : i32
      %dma_start3A_233 = arith.constant 0 : i32
      %dma_start3A_234 = arith.constant 0 : i32
      %dma_start3A_235 = arith.constant 0 : i32
      %dma_start3A_236 = arith.constant 0 : i32
      %dma_start3A_237 = tpu.memref_slice %arg7[%dma_start3A_232, %dma_start3A_233, %dma_start3A_234, %dma_start3A_235, %dma_start3A_236] : memref<2x4x4x8x128xf32, #tpu.memory_space<vmem>> -> memref<1x4x4x8x128xf32, #tpu.memory_space<vmem>>
      %dma_start3A_238 = tpu.memref_squeeze %dma_start3A_237 : memref<1x4x4x8x128xf32, #tpu.memory_space<vmem>> -> memref<4x4x8x128xf32, #tpu.memory_space<vmem>>
      %dma_start3A_239 = arith.constant 0 : i32
      %dma_start3A_240 = arith.constant 0 : i32
      %dma_start3A_241 = arith.constant 0 : i32
      %dma_start3A_242 = tpu.memref_slice %arg4[%mul3A_209, %dma_start3A_239, %mul3A_4, %dma_start3A_240, %dma_start3A_241] : memref<50x4x128x8x128xf32, #tpu.memory_space<hbm>> -> memref<1x4x4x8x128xf32, #tpu.memory_space<hbm>>
      %dma_start3A_243 = tpu.memref_squeeze %dma_start3A_242 : memref<1x4x4x8x128xf32, #tpu.memory_space<hbm>> -> memref<4x4x8x128xf32, #tpu.memory_space<hbm>>
      %dma_start3A_244 = arith.constant 0 : i32
      %dma_start3A_245 = arith.constant 0 : i32
      %dma_start3A_246 = arith.constant 0 : i32
      %dma_start3A_247 = tpu.memref_slice %arg4[%mul3A_209, %dma_start3A_244, %mul3A_4, %dma_start3A_245, %dma_start3A_246] : memref<50x4x128x8x128xf32, #tpu.memory_space<hbm>> -> memref<1x4x4x8x128xf32, #tpu.memory_space<hbm>>
      %dma_start3A_248 = tpu.memref_squeeze %dma_start3A_247 : memref<1x4x4x8x128xf32, #tpu.memory_space<hbm>> -> memref<4x4x8x128xf32, #tpu.memory_space<hbm>>
      %dma_start3A_249 = arith.constant 0 : i32
      %dma_start3A_250 = arith.constant 0 : i32
      %dma_start3A_251 = arith.constant 0 : i32
      %dma_start3A_252 = arith.constant 0 : i32
      %dma_start3A_253 = tpu.memref_slice %arg7[%dma_start3A_232, %dma_start3A_249, %dma_start3A_250, %dma_start3A_251, %dma_start3A_252] : memref<2x4x4x8x128xf32, #tpu.memory_space<vmem>> -> memref<1x4x4x8x128xf32, #tpu.memory_space<vmem>>
      %dma_start3A_254 = tpu.memref_squeeze %dma_start3A_253 : memref<1x4x4x8x128xf32, #tpu.memory_space<vmem>> -> memref<4x4x8x128xf32, #tpu.memory_space<vmem>>
      tpu.enqueue_dma source(%dma_start3A_254 : memref<4x4x8x128xf32, #tpu.memory_space<vmem>>) target(%dma_start3A_248 : memref<4x4x8x128xf32, #tpu.memory_space<hbm>>) target_semaphore(%arg10 : memref<!tpu.dma_semaphore, #tpu.memory_space<semaphore_mem>>)
      %lt3A = arith.constant 24 : i32
      %lt3A_255 = arith.cmpi slt, %scan3A_207, %lt3A : i32
      %convert_element_type3A_256 = arith.extui %lt3A_255 : i1 to i32
      %cond3A_257 = arith.constant 0 : i32
      %cond3A_258 = arith.cmpi ne, %convert_element_type3A_256, %cond3A_257 : i32
      scf.if %cond3A_258 {
        %add3A_314 = arith.constant 2 : i32
        %add3A_315 = arith.addi %mul3A_209, %add3A_314 : i32
        %dma_start3A_316 = arith.constant 0 : i32
        %dma_start3A_317 = arith.constant 0 : i32
        %dma_start3A_318 = arith.constant 0 : i32
        %dma_start3A_319 = tpu.memref_slice %arg6[%dma_start3A_316, %dma_start3A_317, %dma_start3A_318] : memref<2x512x32xf32, #tpu.memory_space<vmem>> -> memref<1x512x32xf32, #tpu.memory_space<vmem>>
        %dma_start3A_320 = tpu.memref_squeeze %dma_start3A_319 : memref<1x512x32xf32, #tpu.memory_space<vmem>> -> memref<512x32xf32, #tpu.memory_space<vmem>>
        %dma_start3A_321 = arith.constant 0 : i32
        %dma_start3A_322 = tpu.memref_slice %arg5[%add3A_315, %dma_start3A_321] : memref<50x512xi32, #tpu.memory_space<vmem>> -> memref<1x512xi32, #tpu.memory_space<vmem>>
        %dma_start3A_323 = tpu.memref_squeeze %dma_start3A_322 : memref<1x512xi32, #tpu.memory_space<vmem>> -> memref<512xi32, #tpu.memory_space<vmem>>
        %dma_start3A_324 = arith.constant 0 : i32
        %dma_start3A_325 = arith.constant 0 : i32
        %dma_start3A_326 = tpu.memref_slice %arg3[%dma_start3A_324, %dma_start3A_325] : memref<1000000x32xf32, #tpu.memory_space<hbm>> -> memref<1000000x32xf32, #tpu.memory_space<hbm>>
        tpu.enqueue_indirect_dma source(%dma_start3A_326 : memref<1000000x32xf32, #tpu.memory_space<hbm>>) target(%dma_start3A_320 : memref<512x32xf32, #tpu.memory_space<vmem>>) offsets(%dma_start3A_323 : memref<512xi32, #tpu.memory_space<vmem>>) semaphore(%arg8 : memref<!tpu.dma_semaphore, #tpu.memory_space<semaphore_mem>>)
      } else {
      }
      %dma_wait3A_259 = arith.constant 0 : i32
      %dma_wait3A_260 = arith.constant 1 : i32
      %dma_wait3A_261 = arith.constant 0 : i32
      %dma_wait3A_262 = arith.constant 0 : i32
      %dma_wait3A_263 = tpu.memref_slice %arg6[%dma_wait3A_260, %dma_wait3A_261, %dma_wait3A_262] : memref<2x512x32xf32, #tpu.memory_space<vmem>> -> memref<1x512x32xf32, #tpu.memory_space<vmem>>
      %dma_wait3A_264 = tpu.memref_squeeze %dma_wait3A_263 : memref<1x512x32xf32, #tpu.memory_space<vmem>> -> memref<512x32xf32, #tpu.memory_space<vmem>>
      %dma_wait3A_265 = arith.constant 0 : i32
      %dma_wait3A_266 = tpu.memref_slice %arg5[%dma_wait3A_259, %dma_wait3A_265] : memref<50x512xi32, #tpu.memory_space<vmem>> -> memref<1x512xi32, #tpu.memory_space<vmem>>
      %dma_wait3A_267 = tpu.memref_squeeze %dma_wait3A_266 : memref<1x512xi32, #tpu.memory_space<vmem>> -> memref<512xi32, #tpu.memory_space<vmem>>
      %dma_wait3A_268 = arith.constant 0 : i32
      %dma_wait3A_269 = arith.constant 0 : i32
      %dma_wait3A_270 = tpu.memref_slice %arg3[%dma_wait3A_268, %dma_wait3A_269] : memref<1000000x32xf32, #tpu.memory_space<hbm>> -> memref<1000000x32xf32, #tpu.memory_space<hbm>>
      tpu.wait_indirect_dma semaphore(%arg9 : memref<!tpu.dma_semaphore, #tpu.memory_space<semaphore_mem>>) src(%dma_wait3A_270 : memref<1000000x32xf32, #tpu.memory_space<hbm>>) dst(%dma_wait3A_264 : memref<512x32xf32, #tpu.memory_space<vmem>>)
      %gt3A_271 = arith.constant 0 : i32
      %gt3A_272 = arith.cmpi sgt, %scan3A_207, %gt3A_271 : i32
      %convert_element_type3A_273 = arith.extui %gt3A_272 : i1 to i32
      %cond3A_274 = arith.constant 0 : i32
      %cond3A_275 = arith.cmpi ne, %convert_element_type3A_273, %cond3A_274 : i32
      scf.if %cond3A_275 {
        %dma_wait3A_314 = arith.constant 1 : i32
        %dma_wait3A_315 = arith.constant 0 : i32
        %dma_wait3A_316 = arith.constant 0 : i32
        %dma_wait3A_317 = arith.constant 0 : i32
        %dma_wait3A_318 = arith.constant 0 : i32
        %dma_wait3A_319 = arith.constant 0 : i32
        %dma_wait3A_320 = tpu.memref_slice %arg7[%dma_wait3A_314, %dma_wait3A_316, %dma_wait3A_317, %dma_wait3A_318, %dma_wait3A_319] : memref<2x4x4x8x128xf32, #tpu.memory_space<vmem>> -> memref<1x4x4x8x128xf32, #tpu.memory_space<vmem>>
        %dma_wait3A_321 = tpu.memref_squeeze %dma_wait3A_320 : memref<1x4x4x8x128xf32, #tpu.memory_space<vmem>> -> memref<4x4x8x128xf32, #tpu.memory_space<vmem>>
        %dma_wait3A_322 = arith.constant 0 : i32
        %dma_wait3A_323 = arith.constant 0 : i32
        %dma_wait3A_324 = arith.constant 0 : i32
        %dma_wait3A_325 = tpu.memref_slice %arg4[%dma_wait3A_315, %dma_wait3A_322, %mul3A_4, %dma_wait3A_323, %dma_wait3A_324] : memref<50x4x128x8x128xf32, #tpu.memory_space<hbm>> -> memref<1x4x4x8x128xf32, #tpu.memory_space<hbm>>
        %dma_wait3A_326 = tpu.memref_squeeze %dma_wait3A_325 : memref<1x4x4x8x128xf32, #tpu.memory_space<hbm>> -> memref<4x4x8x128xf32, #tpu.memory_space<hbm>>
        %dma_wait3A_327 = arith.constant 0 : i32
        %dma_wait3A_328 = arith.constant 0 : i32
        %dma_wait3A_329 = arith.constant 0 : i32
        %dma_wait3A_330 = tpu.memref_slice %arg4[%dma_wait3A_315, %dma_wait3A_327, %mul3A_4, %dma_wait3A_328, %dma_wait3A_329] : memref<50x4x128x8x128xf32, #tpu.memory_space<hbm>> -> memref<1x4x4x8x128xf32, #tpu.memory_space<hbm>>
        %dma_wait3A_331 = tpu.memref_squeeze %dma_wait3A_330 : memref<1x4x4x8x128xf32, #tpu.memory_space<hbm>> -> memref<4x4x8x128xf32, #tpu.memory_space<hbm>>
        %dma_wait3A_332 = arith.constant 0 : i32
        %dma_wait3A_333 = arith.constant 0 : i32
        %dma_wait3A_334 = arith.constant 0 : i32
        %dma_wait3A_335 = arith.constant 0 : i32
        %dma_wait3A_336 = tpu.memref_slice %arg7[%dma_wait3A_314, %dma_wait3A_332, %dma_wait3A_333, %dma_wait3A_334, %dma_wait3A_335] : memref<2x4x4x8x128xf32, #tpu.memory_space<vmem>> -> memref<1x4x4x8x128xf32, #tpu.memory_space<vmem>>
        %dma_wait3A_337 = tpu.memref_squeeze %dma_wait3A_336 : memref<1x4x4x8x128xf32, #tpu.memory_space<vmem>> -> memref<4x4x8x128xf32, #tpu.memory_space<vmem>>
        tpu.wait_dma2 semaphore(%arg11 : memref<!tpu.dma_semaphore, #tpu.memory_space<semaphore_mem>>) src(%dma_wait3A_337 : memref<4x4x8x128xf32, #tpu.memory_space<vmem>>) dst(%dma_wait3A_331 : memref<4x4x8x128xf32, #tpu.memory_space<hbm>>)
      } else {
      }
      %scan3A_276 = arith.constant 0 : i32
      %scan3A_277 = arith.constant 1 : i32
      %scan3A_278 = arith.constant 1 : i32
      %scan3A_279 = arith.constant 0 : i32
      %scan3A_280 = arith.constant 32 : i32
      %scan3A_281 = arith.addi %scan3A_279, %scan3A_280 : i32
      %scan3A_282 = arith.constant 1 : i32
      scf.for %scan3A_314 = %scan3A_279 to %scan3A_281 step %scan3A_282  : i32 {
        %jit3A = arith.constant 8 : i32
        %div3A = arith.divsi %scan3A_314, %jit3A : i32
        %sign3A = arith.constant 0 : i32
        %sign3A_315 = arith.cmpi sgt, %scan3A_314, %sign3A : i32
        %sign3A_316 = arith.extui %sign3A_315 : i1 to i32
        %sign3A_317 = arith.constant 0 : i32
        %sign3A_318 = arith.cmpi slt, %scan3A_314, %sign3A_317 : i32
        %sign3A_319 = arith.extui %sign3A_318 : i1 to i32
        %sign3A_320 = arith.subi %sign3A_316, %sign3A_319 : i32
        %sign3A_321 = arith.constant 0 : i32
        %sign3A_322 = arith.cmpi sgt, %jit3A, %sign3A_321 : i32
        %sign3A_323 = arith.extui %sign3A_322 : i1 to i32
        %sign3A_324 = arith.constant 0 : i32
        %sign3A_325 = arith.cmpi slt, %jit3A, %sign3A_324 : i32
        %sign3A_326 = arith.extui %sign3A_325 : i1 to i32
        %sign3A_327 = arith.subi %sign3A_323, %sign3A_326 : i32
        %ne3A = arith.cmpi ne, %sign3A_320, %sign3A_327 : i32
        %rem3A = arith.remsi %scan3A_314, %jit3A : i32
        %ne3A_328 = arith.constant 0 : i32
        %ne3A_329 = arith.cmpi ne, %rem3A, %ne3A_328 : i32
        %and3A = arith.andi %ne3A, %ne3A_329 : i1
        %sub3A = arith.constant 1 : i32
        %sub3A_330 = arith.subi %div3A, %sub3A : i32
        %select_n3A = arith.select %and3A, %sub3A_330, %div3A : i32
        %jit3A_331 = arith.constant 8 : i32
        %eq3A = arith.constant 0 : i32
        %eq3A_332 = arith.cmpi eq, %jit3A_331, %eq3A : i32
        %jit3A_333 = arith.constant 1 : i32
        %select_n3A_334 = arith.select %eq3A_332, %jit3A_333, %jit3A_331 : i32
        %rem3A_335 = arith.remsi %scan3A_314, %select_n3A_334 : i32
        %ne3A_336 = arith.constant 0 : i32
        %ne3A_337 = arith.cmpi ne, %rem3A_335, %ne3A_336 : i32
        %lt3A_338 = arith.constant 0 : i32
        %lt3A_339 = arith.cmpi slt, %rem3A_335, %lt3A_338 : i32
        %lt3A_340 = arith.constant 0 : i32
        %lt3A_341 = arith.cmpi slt, %select_n3A_334, %lt3A_340 : i32
        %ne3A_342 = arith.xori %lt3A_339, %lt3A_341 : i1
        %and3A_343 = arith.andi %ne3A_342, %ne3A_337 : i1
        %add3A_344 = arith.addi %rem3A_335, %select_n3A_334 : i32
        %select_n3A_345 = arith.select %and3A_343, %add3A_344, %rem3A_335 : i32
        %broadcast_in_dim3A = vector.broadcast %scan3A_314 : i32 to vector<16xi32>
        %gather3A = arith.constant 0 : i32
        %gather3A_346 = arith.constant 0 : i32
        %gather3A_347 = tpu.memref_slice %arg6[%scan3A_277, %gather3A, %gather3A_346] : memref<2x512x32xf32, #tpu.memory_space<vmem>> -> memref<1x512x32xf32, #tpu.memory_space<vmem>>
        %gather3A_348 = tpu.memref_squeeze %gather3A_347 : memref<1x512x32xf32, #tpu.memory_space<vmem>> -> memref<512x32xf32, #tpu.memory_space<vmem>>
        %gather3A_349 = tpu.vector_load_idx %gather3A_348[%add3A_7, %broadcast_in_dim3A] : memref<512x32xf32, #tpu.memory_space<vmem>>[vector<16xi32>, vector<16xi32>], vector<16xf32>,
        %gather3A_350 = arith.constant 0 : i32
        %gather3A_351 = arith.constant 0 : i32
        %gather3A_352 = tpu.memref_slice %arg6[%scan3A_277, %gather3A_350, %gather3A_351] : memref<2x512x32xf32, #tpu.memory_space<vmem>> -> memref<1x512x32xf32, #tpu.memory_space<vmem>>
        %gather3A_353 = tpu.memref_squeeze %gather3A_352 : memref<1x512x32xf32, #tpu.memory_space<vmem>> -> memref<512x32xf32, #tpu.memory_space<vmem>>
        %gather3A_354 = tpu.vector_load_idx %gather3A_353[%add3A_11, %broadcast_in_dim3A] : memref<512x32xf32, #tpu.memory_space<vmem>>[vector<16xi32>, vector<16xi32>], vector<16xf32>,
        %gather3A_355 = arith.constant 0 : i32
        %gather3A_356 = arith.constant 0 : i32
        %gather3A_357 = tpu.memref_slice %arg6[%scan3A_277, %gather3A_355, %gather3A_356] : memref<2x512x32xf32, #tpu.memory_space<vmem>> -> memref<1x512x32xf32, #tpu.memory_space<vmem>>
        %gather3A_358 = tpu.memref_squeeze %gather3A_357 : memref<1x512x32xf32, #tpu.memory_space<vmem>> -> memref<512x32xf32, #tpu.memory_space<vmem>>
        %gather3A_359 = tpu.vector_load_idx %gather3A_358[%add3A_15, %broadcast_in_dim3A] : memref<512x32xf32, #tpu.memory_space<vmem>>[vector<16xi32>, vector<16xi32>], vector<16xf32>,
        %gather3A_360 = arith.constant 0 : i32
        %gather3A_361 = arith.constant 0 : i32
        %gather3A_362 = tpu.memref_slice %arg6[%scan3A_277, %gather3A_360, %gather3A_361] : memref<2x512x32xf32, #tpu.memory_space<vmem>> -> memref<1x512x32xf32, #tpu.memory_space<vmem>>
        %gather3A_363 = tpu.memref_squeeze %gather3A_362 : memref<1x512x32xf32, #tpu.memory_space<vmem>> -> memref<512x32xf32, #tpu.memory_space<vmem>>
        %gather3A_364 = tpu.vector_load_idx %gather3A_363[%add3A_19, %broadcast_in_dim3A] : memref<512x32xf32, #tpu.memory_space<vmem>>[vector<16xi32>, vector<16xi32>], vector<16xf32>,
        %gather3A_365 = arith.constant 0 : i32
        %gather3A_366 = arith.constant 0 : i32
        %gather3A_367 = tpu.memref_slice %arg6[%scan3A_277, %gather3A_365, %gather3A_366] : memref<2x512x32xf32, #tpu.memory_space<vmem>> -> memref<1x512x32xf32, #tpu.memory_space<vmem>>
        %gather3A_368 = tpu.memref_squeeze %gather3A_367 : memref<1x512x32xf32, #tpu.memory_space<vmem>> -> memref<512x32xf32, #tpu.memory_space<vmem>>
        %gather3A_369 = tpu.vector_load_idx %gather3A_368[%add3A_23, %broadcast_in_dim3A] : memref<512x32xf32, #tpu.memory_space<vmem>>[vector<16xi32>, vector<16xi32>], vector<16xf32>,
        %gather3A_370 = arith.constant 0 : i32
        %gather3A_371 = arith.constant 0 : i32
        %gather3A_372 = tpu.memref_slice %arg6[%scan3A_277, %gather3A_370, %gather3A_371] : memref<2x512x32xf32, #tpu.memory_space<vmem>> -> memref<1x512x32xf32, #tpu.memory_space<vmem>>
        %gather3A_373 = tpu.memref_squeeze %gather3A_372 : memref<1x512x32xf32, #tpu.memory_space<vmem>> -> memref<512x32xf32, #tpu.memory_space<vmem>>
        %gather3A_374 = tpu.vector_load_idx %gather3A_373[%add3A_27, %broadcast_in_dim3A] : memref<512x32xf32, #tpu.memory_space<vmem>>[vector<16xi32>, vector<16xi32>], vector<16xf32>,
        %gather3A_375 = arith.constant 0 : i32
        %gather3A_376 = arith.constant 0 : i32
        %gather3A_377 = tpu.memref_slice %arg6[%scan3A_277, %gather3A_375, %gather3A_376] : memref<2x512x32xf32, #tpu.memory_space<vmem>> -> memref<1x512x32xf32, #tpu.memory_space<vmem>>
        %gather3A_378 = tpu.memref_squeeze %gather3A_377 : memref<1x512x32xf32, #tpu.memory_space<vmem>> -> memref<512x32xf32, #tpu.memory_space<vmem>>
        %gather3A_379 = tpu.vector_load_idx %gather3A_378[%add3A_31, %broadcast_in_dim3A] : memref<512x32xf32, #tpu.memory_space<vmem>>[vector<16xi32>, vector<16xi32>], vector<16xf32>,
        %gather3A_380 = arith.constant 0 : i32
        %gather3A_381 = arith.constant 0 : i32
        %gather3A_382 = tpu.memref_slice %arg6[%scan3A_277, %gather3A_380, %gather3A_381] : memref<2x512x32xf32, #tpu.memory_space<vmem>> -> memref<1x512x32xf32, #tpu.memory_space<vmem>>
        %gather3A_383 = tpu.memref_squeeze %gather3A_382 : memref<1x512x32xf32, #tpu.memory_space<vmem>> -> memref<512x32xf32, #tpu.memory_space<vmem>>
        %gather3A_384 = tpu.vector_load_idx %gather3A_383[%add3A_35, %broadcast_in_dim3A] : memref<512x32xf32, #tpu.memory_space<vmem>>[vector<16xi32>, vector<16xi32>], vector<16xf32>,
        %gather3A_385 = arith.constant 0 : i32
        %gather3A_386 = arith.constant 0 : i32
        %gather3A_387 = tpu.memref_slice %arg6[%scan3A_277, %gather3A_385, %gather3A_386] : memref<2x512x32xf32, #tpu.memory_space<vmem>> -> memref<1x512x32xf32, #tpu.memory_space<vmem>>
        %gather3A_388 = tpu.memref_squeeze %gather3A_387 : memref<1x512x32xf32, #tpu.memory_space<vmem>> -> memref<512x32xf32, #tpu.memory_space<vmem>>
        %gather3A_389 = tpu.vector_load_idx %gather3A_388[%add3A_39, %broadcast_in_dim3A] : memref<512x32xf32, #tpu.memory_space<vmem>>[vector<16xi32>, vector<16xi32>], vector<16xf32>,
        %gather3A_390 = arith.constant 0 : i32
        %gather3A_391 = arith.constant 0 : i32
        %gather3A_392 = tpu.memref_slice %arg6[%scan3A_277, %gather3A_390, %gather3A_391] : memref<2x512x32xf32, #tpu.memory_space<vmem>> -> memref<1x512x32xf32, #tpu.memory_space<vmem>>
        %gather3A_393 = tpu.memref_squeeze %gather3A_392 : memref<1x512x32xf32, #tpu.memory_space<vmem>> -> memref<512x32xf32, #tpu.memory_space<vmem>>
        %gather3A_394 = tpu.vector_load_idx %gather3A_393[%add3A_43, %broadcast_in_dim3A] : memref<512x32xf32, #tpu.memory_space<vmem>>[vector<16xi32>, vector<16xi32>], vector<16xf32>,
        %gather3A_395 = arith.constant 0 : i32
        %gather3A_396 = arith.constant 0 : i32
        %gather3A_397 = tpu.memref_slice %arg6[%scan3A_277, %gather3A_395, %gather3A_396] : memref<2x512x32xf32, #tpu.memory_space<vmem>> -> memref<1x512x32xf32, #tpu.memory_space<vmem>>
        %gather3A_398 = tpu.memref_squeeze %gather3A_397 : memref<1x512x32xf32, #tpu.memory_space<vmem>> -> memref<512x32xf32, #tpu.memory_space<vmem>>
        %gather3A_399 = tpu.vector_load_idx %gather3A_398[%add3A_47, %broadcast_in_dim3A] : memref<512x32xf32, #tpu.memory_space<vmem>>[vector<16xi32>, vector<16xi32>], vector<16xf32>,
        %gather3A_400 = arith.constant 0 : i32
        %gather3A_401 = arith.constant 0 : i32
        %gather3A_402 = tpu.memref_slice %arg6[%scan3A_277, %gather3A_400, %gather3A_401] : memref<2x512x32xf32, #tpu.memory_space<vmem>> -> memref<1x512x32xf32, #tpu.memory_space<vmem>>
        %gather3A_403 = tpu.memref_squeeze %gather3A_402 : memref<1x512x32xf32, #tpu.memory_space<vmem>> -> memref<512x32xf32, #tpu.memory_space<vmem>>
        %gather3A_404 = tpu.vector_load_idx %gather3A_403[%add3A_51, %broadcast_in_dim3A] : memref<512x32xf32, #tpu.memory_space<vmem>>[vector<16xi32>, vector<16xi32>], vector<16xf32>,
        %gather3A_405 = arith.constant 0 : i32
        %gather3A_406 = arith.constant 0 : i32
        %gather3A_407 = tpu.memref_slice %arg6[%scan3A_277, %gather3A_405, %gather3A_406] : memref<2x512x32xf32, #tpu.memory_space<vmem>> -> memref<1x512x32xf32, #tpu.memory_space<vmem>>
        %gather3A_408 = tpu.memref_squeeze %gather3A_407 : memref<1x512x32xf32, #tpu.memory_space<vmem>> -> memref<512x32xf32, #tpu.memory_space<vmem>>
        %gather3A_409 = tpu.vector_load_idx %gather3A_408[%add3A_55, %broadcast_in_dim3A] : memref<512x32xf32, #tpu.memory_space<vmem>>[vector<16xi32>, vector<16xi32>], vector<16xf32>,
        %gather3A_410 = arith.constant 0 : i32
        %gather3A_411 = arith.constant 0 : i32
        %gather3A_412 = tpu.memref_slice %arg6[%scan3A_277, %gather3A_410, %gather3A_411] : memref<2x512x32xf32, #tpu.memory_space<vmem>> -> memref<1x512x32xf32, #tpu.memory_space<vmem>>
        %gather3A_413 = tpu.memref_squeeze %gather3A_412 : memref<1x512x32xf32, #tpu.memory_space<vmem>> -> memref<512x32xf32, #tpu.memory_space<vmem>>
        %gather3A_414 = tpu.vector_load_idx %gather3A_413[%add3A_59, %broadcast_in_dim3A] : memref<512x32xf32, #tpu.memory_space<vmem>>[vector<16xi32>, vector<16xi32>], vector<16xf32>,
        %gather3A_415 = arith.constant 0 : i32
        %gather3A_416 = arith.constant 0 : i32
        %gather3A_417 = tpu.memref_slice %arg6[%scan3A_277, %gather3A_415, %gather3A_416] : memref<2x512x32xf32, #tpu.memory_space<vmem>> -> memref<1x512x32xf32, #tpu.memory_space<vmem>>
        %gather3A_418 = tpu.memref_squeeze %gather3A_417 : memref<1x512x32xf32, #tpu.memory_space<vmem>> -> memref<512x32xf32, #tpu.memory_space<vmem>>
        %gather3A_419 = tpu.vector_load_idx %gather3A_418[%add3A_63, %broadcast_in_dim3A] : memref<512x32xf32, #tpu.memory_space<vmem>>[vector<16xi32>, vector<16xi32>], vector<16xf32>,
        %gather3A_420 = arith.constant 0 : i32
        %gather3A_421 = arith.constant 0 : i32
        %gather3A_422 = tpu.memref_slice %arg6[%scan3A_277, %gather3A_420, %gather3A_421] : memref<2x512x32xf32, #tpu.memory_space<vmem>> -> memref<1x512x32xf32, #tpu.memory_space<vmem>>
        %gather3A_423 = tpu.memref_squeeze %gather3A_422 : memref<1x512x32xf32, #tpu.memory_space<vmem>> -> memref<512x32xf32, #tpu.memory_space<vmem>>
        %gather3A_424 = tpu.vector_load_idx %gather3A_423[%add3A_67, %broadcast_in_dim3A] : memref<512x32xf32, #tpu.memory_space<vmem>>[vector<16xi32>, vector<16xi32>], vector<16xf32>,
        %gather3A_425 = arith.constant 0 : i32
        %gather3A_426 = arith.constant 0 : i32
        %gather3A_427 = tpu.memref_slice %arg6[%scan3A_277, %gather3A_425, %gather3A_426] : memref<2x512x32xf32, #tpu.memory_space<vmem>> -> memref<1x512x32xf32, #tpu.memory_space<vmem>>
        %gather3A_428 = tpu.memref_squeeze %gather3A_427 : memref<1x512x32xf32, #tpu.memory_space<vmem>> -> memref<512x32xf32, #tpu.memory_space<vmem>>
        %gather3A_429 = tpu.vector_load_idx %gather3A_428[%add3A_71, %broadcast_in_dim3A] : memref<512x32xf32, #tpu.memory_space<vmem>>[vector<16xi32>, vector<16xi32>], vector<16xf32>,
        %gather3A_430 = arith.constant 0 : i32
        %gather3A_431 = arith.constant 0 : i32
        %gather3A_432 = tpu.memref_slice %arg6[%scan3A_277, %gather3A_430, %gather3A_431] : memref<2x512x32xf32, #tpu.memory_space<vmem>> -> memref<1x512x32xf32, #tpu.memory_space<vmem>>
        %gather3A_433 = tpu.memref_squeeze %gather3A_432 : memref<1x512x32xf32, #tpu.memory_space<vmem>> -> memref<512x32xf32, #tpu.memory_space<vmem>>
        %gather3A_434 = tpu.vector_load_idx %gather3A_433[%add3A_75, %broadcast_in_dim3A] : memref<512x32xf32, #tpu.memory_space<vmem>>[vector<16xi32>, vector<16xi32>], vector<16xf32>,
        %gather3A_435 = arith.constant 0 : i32
        %gather3A_436 = arith.constant 0 : i32
        %gather3A_437 = tpu.memref_slice %arg6[%scan3A_277, %gather3A_435, %gather3A_436] : memref<2x512x32xf32, #tpu.memory_space<vmem>> -> memref<1x512x32xf32, #tpu.memory_space<vmem>>
        %gather3A_438 = tpu.memref_squeeze %gather3A_437 : memref<1x512x32xf32, #tpu.memory_space<vmem>> -> memref<512x32xf32, #tpu.memory_space<vmem>>
        %gather3A_439 = tpu.vector_load_idx %gather3A_438[%add3A_79, %broadcast_in_dim3A] : memref<512x32xf32, #tpu.memory_space<vmem>>[vector<16xi32>, vector<16xi32>], vector<16xf32>,
        %gather3A_440 = arith.constant 0 : i32
        %gather3A_441 = arith.constant 0 : i32
        %gather3A_442 = tpu.memref_slice %arg6[%scan3A_277, %gather3A_440, %gather3A_441] : memref<2x512x32xf32, #tpu.memory_space<vmem>> -> memref<1x512x32xf32, #tpu.memory_space<vmem>>
        %gather3A_443 = tpu.memref_squeeze %gather3A_442 : memref<1x512x32xf32, #tpu.memory_space<vmem>> -> memref<512x32xf32, #tpu.memory_space<vmem>>
        %gather3A_444 = tpu.vector_load_idx %gather3A_443[%add3A_83, %broadcast_in_dim3A] : memref<512x32xf32, #tpu.memory_space<vmem>>[vector<16xi32>, vector<16xi32>], vector<16xf32>,
        %gather3A_445 = arith.constant 0 : i32
        %gather3A_446 = arith.constant 0 : i32
        %gather3A_447 = tpu.memref_slice %arg6[%scan3A_277, %gather3A_445, %gather3A_446] : memref<2x512x32xf32, #tpu.memory_space<vmem>> -> memref<1x512x32xf32, #tpu.memory_space<vmem>>
        %gather3A_448 = tpu.memref_squeeze %gather3A_447 : memref<1x512x32xf32, #tpu.memory_space<vmem>> -> memref<512x32xf32, #tpu.memory_space<vmem>>
        %gather3A_449 = tpu.vector_load_idx %gather3A_448[%add3A_87, %broadcast_in_dim3A] : memref<512x32xf32, #tpu.memory_space<vmem>>[vector<16xi32>, vector<16xi32>], vector<16xf32>,
        %gather3A_450 = arith.constant 0 : i32
        %gather3A_451 = arith.constant 0 : i32
        %gather3A_452 = tpu.memref_slice %arg6[%scan3A_277, %gather3A_450, %gather3A_451] : memref<2x512x32xf32, #tpu.memory_space<vmem>> -> memref<1x512x32xf32, #tpu.memory_space<vmem>>
        %gather3A_453 = tpu.memref_squeeze %gather3A_452 : memref<1x512x32xf32, #tpu.memory_space<vmem>> -> memref<512x32xf32, #tpu.memory_space<vmem>>
        %gather3A_454 = tpu.vector_load_idx %gather3A_453[%add3A_91, %broadcast_in_dim3A] : memref<512x32xf32, #tpu.memory_space<vmem>>[vector<16xi32>, vector<16xi32>], vector<16xf32>,
        %gather3A_455 = arith.constant 0 : i32
        %gather3A_456 = arith.constant 0 : i32
        %gather3A_457 = tpu.memref_slice %arg6[%scan3A_277, %gather3A_455, %gather3A_456] : memref<2x512x32xf32, #tpu.memory_space<vmem>> -> memref<1x512x32xf32, #tpu.memory_space<vmem>>
        %gather3A_458 = tpu.memref_squeeze %gather3A_457 : memref<1x512x32xf32, #tpu.memory_space<vmem>> -> memref<512x32xf32, #tpu.memory_space<vmem>>
        %gather3A_459 = tpu.vector_load_idx %gather3A_458[%add3A_95, %broadcast_in_dim3A] : memref<512x32xf32, #tpu.memory_space<vmem>>[vector<16xi32>, vector<16xi32>], vector<16xf32>,
        %gather3A_460 = arith.constant 0 : i32
        %gather3A_461 = arith.constant 0 : i32
        %gather3A_462 = tpu.memref_slice %arg6[%scan3A_277, %gather3A_460, %gather3A_461] : memref<2x512x32xf32, #tpu.memory_space<vmem>> -> memref<1x512x32xf32, #tpu.memory_space<vmem>>
        %gather3A_463 = tpu.memref_squeeze %gather3A_462 : memref<1x512x32xf32, #tpu.memory_space<vmem>> -> memref<512x32xf32, #tpu.memory_space<vmem>>
        %gather3A_464 = tpu.vector_load_idx %gather3A_463[%add3A_99, %broadcast_in_dim3A] : memref<512x32xf32, #tpu.memory_space<vmem>>[vector<16xi32>, vector<16xi32>], vector<16xf32>,
        %gather3A_465 = arith.constant 0 : i32
        %gather3A_466 = arith.constant 0 : i32
        %gather3A_467 = tpu.memref_slice %arg6[%scan3A_277, %gather3A_465, %gather3A_466] : memref<2x512x32xf32, #tpu.memory_space<vmem>> -> memref<1x512x32xf32, #tpu.memory_space<vmem>>
        %gather3A_468 = tpu.memref_squeeze %gather3A_467 : memref<1x512x32xf32, #tpu.memory_space<vmem>> -> memref<512x32xf32, #tpu.memory_space<vmem>>
        %gather3A_469 = tpu.vector_load_idx %gather3A_468[%add3A_103, %broadcast_in_dim3A] : memref<512x32xf32, #tpu.memory_space<vmem>>[vector<16xi32>, vector<16xi32>], vector<16xf32>,
        %gather3A_470 = arith.constant 0 : i32
        %gather3A_471 = arith.constant 0 : i32
        %gather3A_472 = tpu.memref_slice %arg6[%scan3A_277, %gather3A_470, %gather3A_471] : memref<2x512x32xf32, #tpu.memory_space<vmem>> -> memref<1x512x32xf32, #tpu.memory_space<vmem>>
        %gather3A_473 = tpu.memref_squeeze %gather3A_472 : memref<1x512x32xf32, #tpu.memory_space<vmem>> -> memref<512x32xf32, #tpu.memory_space<vmem>>
        %gather3A_474 = tpu.vector_load_idx %gather3A_473[%add3A_107, %broadcast_in_dim3A] : memref<512x32xf32, #tpu.memory_space<vmem>>[vector<16xi32>, vector<16xi32>], vector<16xf32>,
        %gather3A_475 = arith.constant 0 : i32
        %gather3A_476 = arith.constant 0 : i32
        %gather3A_477 = tpu.memref_slice %arg6[%scan3A_277, %gather3A_475, %gather3A_476] : memref<2x512x32xf32, #tpu.memory_space<vmem>> -> memref<1x512x32xf32, #tpu.memory_space<vmem>>
        %gather3A_478 = tpu.memref_squeeze %gather3A_477 : memref<1x512x32xf32, #tpu.memory_space<vmem>> -> memref<512x32xf32, #tpu.memory_space<vmem>>
        %gather3A_479 = tpu.vector_load_idx %gather3A_478[%add3A_111, %broadcast_in_dim3A] : memref<512x32xf32, #tpu.memory_space<vmem>>[vector<16xi32>, vector<16xi32>], vector<16xf32>,
        %gather3A_480 = arith.constant 0 : i32
        %gather3A_481 = arith.constant 0 : i32
        %gather3A_482 = tpu.memref_slice %arg6[%scan3A_277, %gather3A_480, %gather3A_481] : memref<2x512x32xf32, #tpu.memory_space<vmem>> -> memref<1x512x32xf32, #tpu.memory_space<vmem>>
        %gather3A_483 = tpu.memref_squeeze %gather3A_482 : memref<1x512x32xf32, #tpu.memory_space<vmem>> -> memref<512x32xf32, #tpu.memory_space<vmem>>
        %gather3A_484 = tpu.vector_load_idx %gather3A_483[%add3A_115, %broadcast_in_dim3A] : memref<512x32xf32, #tpu.memory_space<vmem>>[vector<16xi32>, vector<16xi32>], vector<16xf32>,
        %gather3A_485 = arith.constant 0 : i32
        %gather3A_486 = arith.constant 0 : i32
        %gather3A_487 = tpu.memref_slice %arg6[%scan3A_277, %gather3A_485, %gather3A_486] : memref<2x512x32xf32, #tpu.memory_space<vmem>> -> memref<1x512x32xf32, #tpu.memory_space<vmem>>
        %gather3A_488 = tpu.memref_squeeze %gather3A_487 : memref<1x512x32xf32, #tpu.memory_space<vmem>> -> memref<512x32xf32, #tpu.memory_space<vmem>>
        %gather3A_489 = tpu.vector_load_idx %gather3A_488[%add3A_119, %broadcast_in_dim3A] : memref<512x32xf32, #tpu.memory_space<vmem>>[vector<16xi32>, vector<16xi32>], vector<16xf32>,
        %gather3A_490 = arith.constant 0 : i32
        %gather3A_491 = arith.constant 0 : i32
        %gather3A_492 = tpu.memref_slice %arg6[%scan3A_277, %gather3A_490, %gather3A_491] : memref<2x512x32xf32, #tpu.memory_space<vmem>> -> memref<1x512x32xf32, #tpu.memory_space<vmem>>
        %gather3A_493 = tpu.memref_squeeze %gather3A_492 : memref<1x512x32xf32, #tpu.memory_space<vmem>> -> memref<512x32xf32, #tpu.memory_space<vmem>>
        %gather3A_494 = tpu.vector_load_idx %gather3A_493[%add3A_123, %broadcast_in_dim3A] : memref<512x32xf32, #tpu.memory_space<vmem>>[vector<16xi32>, vector<16xi32>], vector<16xf32>,
        %gather3A_495 = arith.constant 0 : i32
        %gather3A_496 = arith.constant 0 : i32
        %gather3A_497 = tpu.memref_slice %arg6[%scan3A_277, %gather3A_495, %gather3A_496] : memref<2x512x32xf32, #tpu.memory_space<vmem>> -> memref<1x512x32xf32, #tpu.memory_space<vmem>>
        %gather3A_498 = tpu.memref_squeeze %gather3A_497 : memref<1x512x32xf32, #tpu.memory_space<vmem>> -> memref<512x32xf32, #tpu.memory_space<vmem>>
        %gather3A_499 = tpu.vector_load_idx %gather3A_498[%add3A_127, %broadcast_in_dim3A] : memref<512x32xf32, #tpu.memory_space<vmem>>[vector<16xi32>, vector<16xi32>], vector<16xf32>,
        %gather3A_500 = arith.constant 0 : i32
        %gather3A_501 = arith.constant 0 : i32
        %gather3A_502 = tpu.memref_slice %arg6[%scan3A_277, %gather3A_500, %gather3A_501] : memref<2x512x32xf32, #tpu.memory_space<vmem>> -> memref<1x512x32xf32, #tpu.memory_space<vmem>>
        %gather3A_503 = tpu.memref_squeeze %gather3A_502 : memref<1x512x32xf32, #tpu.memory_space<vmem>> -> memref<512x32xf32, #tpu.memory_space<vmem>>
        %gather3A_504 = tpu.vector_load_idx %gather3A_503[%add3A_131, %broadcast_in_dim3A] : memref<512x32xf32, #tpu.memory_space<vmem>>[vector<16xi32>, vector<16xi32>], vector<16xf32>,
        %swap3A = arith.constant 0 : i32
        %swap3A_505 = arith.constant 0 : i32
        %swap3A_506 = arith.constant 0 : i32
        %swap3A_507 = arith.constant 0 : i32
        %swap3A_508 = arith.constant 0 : i32
        %swap3A_509 = tpu.memref_slice %arg7[%scan3A_278, %swap3A_505, %swap3A_506, %swap3A_507, %swap3A_508] : memref<2x4x4x8x128xf32, #tpu.memory_space<vmem>> -> memref<1x4x4x8x128xf32, #tpu.memory_space<vmem>>
        %swap3A_510 = tpu.memref_squeeze %swap3A_509 : memref<1x4x4x8x128xf32, #tpu.memory_space<vmem>> -> memref<4x4x8x128xf32, #tpu.memory_space<vmem>>
        %swap3A_511 = arith.index_cast %select_n3A : i32 to index
        %swap3A_512 = arith.index_cast %swap3A : i32 to index
        %swap3A_513 = arith.index_cast %select_n3A_345 : i32 to index
        %swap3A_514 = arith.constant 0 : index
        %swap3A_515 = tpu.vector_load %swap3A_510[%swap3A_511, %swap3A_512, %swap3A_513, %swap3A_514] {strides = array<i32>} : memref<4x4x8x128xf32, #tpu.memory_space<vmem>>, vector<16xf32>,
        tpu.vector_store %swap3A_510[%swap3A_511, %swap3A_512, %swap3A_513, %swap3A_514], %gather3A_349 {strides = array<i32>} : memref<4x4x8x128xf32, #tpu.memory_space<vmem>>, vector<16xf32>,
        %swap3A_516 = arith.constant 0 : i32
        %swap3A_517 = arith.constant 0 : i32
        %swap3A_518 = arith.constant 0 : i32
        %swap3A_519 = arith.constant 0 : i32
        %swap3A_520 = arith.constant 0 : i32
        %swap3A_521 = tpu.memref_slice %arg7[%scan3A_278, %swap3A_517, %swap3A_518, %swap3A_519, %swap3A_520] : memref<2x4x4x8x128xf32, #tpu.memory_space<vmem>> -> memref<1x4x4x8x128xf32, #tpu.memory_space<vmem>>
        %swap3A_522 = tpu.memref_squeeze %swap3A_521 : memref<1x4x4x8x128xf32, #tpu.memory_space<vmem>> -> memref<4x4x8x128xf32, #tpu.memory_space<vmem>>
        %swap3A_523 = arith.index_cast %select_n3A : i32 to index
        %swap3A_524 = arith.index_cast %swap3A_516 : i32 to index
        %swap3A_525 = arith.index_cast %select_n3A_345 : i32 to index
        %swap3A_526 = arith.constant 16 : index
        %swap3A_527 = tpu.vector_load %swap3A_522[%swap3A_523, %swap3A_524, %swap3A_525, %swap3A_526] {strides = array<i32>} : memref<4x4x8x128xf32, #tpu.memory_space<vmem>>, vector<16xf32>,
        tpu.vector_store %swap3A_522[%swap3A_523, %swap3A_524, %swap3A_525, %swap3A_526], %gather3A_354 {strides = array<i32>} : memref<4x4x8x128xf32, #tpu.memory_space<vmem>>, vector<16xf32>,
        %swap3A_528 = arith.constant 0 : i32
        %swap3A_529 = arith.constant 0 : i32
        %swap3A_530 = arith.constant 0 : i32
        %swap3A_531 = arith.constant 0 : i32
        %swap3A_532 = arith.constant 0 : i32
        %swap3A_533 = tpu.memref_slice %arg7[%scan3A_278, %swap3A_529, %swap3A_530, %swap3A_531, %swap3A_532] : memref<2x4x4x8x128xf32, #tpu.memory_space<vmem>> -> memref<1x4x4x8x128xf32, #tpu.memory_space<vmem>>
        %swap3A_534 = tpu.memref_squeeze %swap3A_533 : memref<1x4x4x8x128xf32, #tpu.memory_space<vmem>> -> memref<4x4x8x128xf32, #tpu.memory_space<vmem>>
        %swap3A_535 = arith.index_cast %select_n3A : i32 to index
        %swap3A_536 = arith.index_cast %swap3A_528 : i32 to index
        %swap3A_537 = arith.index_cast %select_n3A_345 : i32 to index
        %swap3A_538 = arith.constant 32 : index
        %swap3A_539 = tpu.vector_load %swap3A_534[%swap3A_535, %swap3A_536, %swap3A_537, %swap3A_538] {strides = array<i32>} : memref<4x4x8x128xf32, #tpu.memory_space<vmem>>, vector<16xf32>,
        tpu.vector_store %swap3A_534[%swap3A_535, %swap3A_536, %swap3A_537, %swap3A_538], %gather3A_359 {strides = array<i32>} : memref<4x4x8x128xf32, #tpu.memory_space<vmem>>, vector<16xf32>,
        %swap3A_540 = arith.constant 0 : i32
        %swap3A_541 = arith.constant 0 : i32
        %swap3A_542 = arith.constant 0 : i32
        %swap3A_543 = arith.constant 0 : i32
        %swap3A_544 = arith.constant 0 : i32
        %swap3A_545 = tpu.memref_slice %arg7[%scan3A_278, %swap3A_541, %swap3A_542, %swap3A_543, %swap3A_544] : memref<2x4x4x8x128xf32, #tpu.memory_space<vmem>> -> memref<1x4x4x8x128xf32, #tpu.memory_space<vmem>>
        %swap3A_546 = tpu.memref_squeeze %swap3A_545 : memref<1x4x4x8x128xf32, #tpu.memory_space<vmem>> -> memref<4x4x8x128xf32, #tpu.memory_space<vmem>>
        %swap3A_547 = arith.index_cast %select_n3A : i32 to index
        %swap3A_548 = arith.index_cast %swap3A_540 : i32 to index
        %swap3A_549 = arith.index_cast %select_n3A_345 : i32 to index
        %swap3A_550 = arith.constant 48 : index
        %swap3A_551 = tpu.vector_load %swap3A_546[%swap3A_547, %swap3A_548, %swap3A_549, %swap3A_550] {strides = array<i32>} : memref<4x4x8x128xf32, #tpu.memory_space<vmem>>, vector<16xf32>,
        tpu.vector_store %swap3A_546[%swap3A_547, %swap3A_548, %swap3A_549, %swap3A_550], %gather3A_364 {strides = array<i32>} : memref<4x4x8x128xf32, #tpu.memory_space<vmem>>, vector<16xf32>,
        %swap3A_552 = arith.constant 0 : i32
        %swap3A_553 = arith.constant 0 : i32
        %swap3A_554 = arith.constant 0 : i32
        %swap3A_555 = arith.constant 0 : i32
        %swap3A_556 = arith.constant 0 : i32
        %swap3A_557 = tpu.memref_slice %arg7[%scan3A_278, %swap3A_553, %swap3A_554, %swap3A_555, %swap3A_556] : memref<2x4x4x8x128xf32, #tpu.memory_space<vmem>> -> memref<1x4x4x8x128xf32, #tpu.memory_space<vmem>>
        %swap3A_558 = tpu.memref_squeeze %swap3A_557 : memref<1x4x4x8x128xf32, #tpu.memory_space<vmem>> -> memref<4x4x8x128xf32, #tpu.memory_space<vmem>>
        %swap3A_559 = arith.index_cast %select_n3A : i32 to index
        %swap3A_560 = arith.index_cast %swap3A_552 : i32 to index
        %swap3A_561 = arith.index_cast %select_n3A_345 : i32 to index
        %swap3A_562 = arith.constant 64 : index
        %swap3A_563 = tpu.vector_load %swap3A_558[%swap3A_559, %swap3A_560, %swap3A_561, %swap3A_562] {strides = array<i32>} : memref<4x4x8x128xf32, #tpu.memory_space<vmem>>, vector<16xf32>,
        tpu.vector_store %swap3A_558[%swap3A_559, %swap3A_560, %swap3A_561, %swap3A_562], %gather3A_369 {strides = array<i32>} : memref<4x4x8x128xf32, #tpu.memory_space<vmem>>, vector<16xf32>,
        %swap3A_564 = arith.constant 0 : i32
        %swap3A_565 = arith.constant 0 : i32
        %swap3A_566 = arith.constant 0 : i32
        %swap3A_567 = arith.constant 0 : i32
        %swap3A_568 = arith.constant 0 : i32
        %swap3A_569 = tpu.memref_slice %arg7[%scan3A_278, %swap3A_565, %swap3A_566, %swap3A_567, %swap3A_568] : memref<2x4x4x8x128xf32, #tpu.memory_space<vmem>> -> memref<1x4x4x8x128xf32, #tpu.memory_space<vmem>>
        %swap3A_570 = tpu.memref_squeeze %swap3A_569 : memref<1x4x4x8x128xf32, #tpu.memory_space<vmem>> -> memref<4x4x8x128xf32, #tpu.memory_space<vmem>>
        %swap3A_571 = arith.index_cast %select_n3A : i32 to index
        %swap3A_572 = arith.index_cast %swap3A_564 : i32 to index
        %swap3A_573 = arith.index_cast %select_n3A_345 : i32 to index
        %swap3A_574 = arith.constant 80 : index
        %swap3A_575 = tpu.vector_load %swap3A_570[%swap3A_571, %swap3A_572, %swap3A_573, %swap3A_574] {strides = array<i32>} : memref<4x4x8x128xf32, #tpu.memory_space<vmem>>, vector<16xf32>,
        tpu.vector_store %swap3A_570[%swap3A_571, %swap3A_572, %swap3A_573, %swap3A_574], %gather3A_374 {strides = array<i32>} : memref<4x4x8x128xf32, #tpu.memory_space<vmem>>, vector<16xf32>,
        %swap3A_576 = arith.constant 0 : i32
        %swap3A_577 = arith.constant 0 : i32
        %swap3A_578 = arith.constant 0 : i32
        %swap3A_579 = arith.constant 0 : i32
        %swap3A_580 = arith.constant 0 : i32
        %swap3A_581 = tpu.memref_slice %arg7[%scan3A_278, %swap3A_577, %swap3A_578, %swap3A_579, %swap3A_580] : memref<2x4x4x8x128xf32, #tpu.memory_space<vmem>> -> memref<1x4x4x8x128xf32, #tpu.memory_space<vmem>>
        %swap3A_582 = tpu.memref_squeeze %swap3A_581 : memref<1x4x4x8x128xf32, #tpu.memory_space<vmem>> -> memref<4x4x8x128xf32, #tpu.memory_space<vmem>>
        %swap3A_583 = arith.index_cast %select_n3A : i32 to index
        %swap3A_584 = arith.index_cast %swap3A_576 : i32 to index
        %swap3A_585 = arith.index_cast %select_n3A_345 : i32 to index
        %swap3A_586 = arith.constant 96 : index
        %swap3A_587 = tpu.vector_load %swap3A_582[%swap3A_583, %swap3A_584, %swap3A_585, %swap3A_586] {strides = array<i32>} : memref<4x4x8x128xf32, #tpu.memory_space<vmem>>, vector<16xf32>,
        tpu.vector_store %swap3A_582[%swap3A_583, %swap3A_584, %swap3A_585, %swap3A_586], %gather3A_379 {strides = array<i32>} : memref<4x4x8x128xf32, #tpu.memory_space<vmem>>, vector<16xf32>,
        %swap3A_588 = arith.constant 0 : i32
        %swap3A_589 = arith.constant 0 : i32
        %swap3A_590 = arith.constant 0 : i32
        %swap3A_591 = arith.constant 0 : i32
        %swap3A_592 = arith.constant 0 : i32
        %swap3A_593 = tpu.memref_slice %arg7[%scan3A_278, %swap3A_589, %swap3A_590, %swap3A_591, %swap3A_592] : memref<2x4x4x8x128xf32, #tpu.memory_space<vmem>> -> memref<1x4x4x8x128xf32, #tpu.memory_space<vmem>>
        %swap3A_594 = tpu.memref_squeeze %swap3A_593 : memref<1x4x4x8x128xf32, #tpu.memory_space<vmem>> -> memref<4x4x8x128xf32, #tpu.memory_space<vmem>>
        %swap3A_595 = arith.index_cast %select_n3A : i32 to index
        %swap3A_596 = arith.index_cast %swap3A_588 : i32 to index
        %swap3A_597 = arith.index_cast %select_n3A_345 : i32 to index
        %swap3A_598 = arith.constant 112 : index
        %swap3A_599 = tpu.vector_load %swap3A_594[%swap3A_595, %swap3A_596, %swap3A_597, %swap3A_598] {strides = array<i32>} : memref<4x4x8x128xf32, #tpu.memory_space<vmem>>, vector<16xf32>,
        tpu.vector_store %swap3A_594[%swap3A_595, %swap3A_596, %swap3A_597, %swap3A_598], %gather3A_384 {strides = array<i32>} : memref<4x4x8x128xf32, #tpu.memory_space<vmem>>, vector<16xf32>,
        %swap3A_600 = arith.constant 1 : i32
        %swap3A_601 = arith.constant 0 : i32
        %swap3A_602 = arith.constant 0 : i32
        %swap3A_603 = arith.constant 0 : i32
        %swap3A_604 = arith.constant 0 : i32
        %swap3A_605 = tpu.memref_slice %arg7[%scan3A_278, %swap3A_601, %swap3A_602, %swap3A_603, %swap3A_604] : memref<2x4x4x8x128xf32, #tpu.memory_space<vmem>> -> memref<1x4x4x8x128xf32, #tpu.memory_space<vmem>>
        %swap3A_606 = tpu.memref_squeeze %swap3A_605 : memref<1x4x4x8x128xf32, #tpu.memory_space<vmem>> -> memref<4x4x8x128xf32, #tpu.memory_space<vmem>>
        %swap3A_607 = arith.index_cast %select_n3A : i32 to index
        %swap3A_608 = arith.index_cast %swap3A_600 : i32 to index
        %swap3A_609 = arith.index_cast %select_n3A_345 : i32 to index
        %swap3A_610 = arith.constant 0 : index
        %swap3A_611 = tpu.vector_load %swap3A_606[%swap3A_607, %swap3A_608, %swap3A_609, %swap3A_610] {strides = array<i32>} : memref<4x4x8x128xf32, #tpu.memory_space<vmem>>, vector<16xf32>,
        tpu.vector_store %swap3A_606[%swap3A_607, %swap3A_608, %swap3A_609, %swap3A_610], %gather3A_389 {strides = array<i32>} : memref<4x4x8x128xf32, #tpu.memory_space<vmem>>, vector<16xf32>,
        %swap3A_612 = arith.constant 1 : i32
        %swap3A_613 = arith.constant 0 : i32
        %swap3A_614 = arith.constant 0 : i32
        %swap3A_615 = arith.constant 0 : i32
        %swap3A_616 = arith.constant 0 : i32
        %swap3A_617 = tpu.memref_slice %arg7[%scan3A_278, %swap3A_613, %swap3A_614, %swap3A_615, %swap3A_616] : memref<2x4x4x8x128xf32, #tpu.memory_space<vmem>> -> memref<1x4x4x8x128xf32, #tpu.memory_space<vmem>>
        %swap3A_618 = tpu.memref_squeeze %swap3A_617 : memref<1x4x4x8x128xf32, #tpu.memory_space<vmem>> -> memref<4x4x8x128xf32, #tpu.memory_space<vmem>>
        %swap3A_619 = arith.index_cast %select_n3A : i32 to index
        %swap3A_620 = arith.index_cast %swap3A_612 : i32 to index
        %swap3A_621 = arith.index_cast %select_n3A_345 : i32 to index
        %swap3A_622 = arith.constant 16 : index
        %swap3A_623 = tpu.vector_load %swap3A_618[%swap3A_619, %swap3A_620, %swap3A_621, %swap3A_622] {strides = array<i32>} : memref<4x4x8x128xf32, #tpu.memory_space<vmem>>, vector<16xf32>,
        tpu.vector_store %swap3A_618[%swap3A_619, %swap3A_620, %swap3A_621, %swap3A_622], %gather3A_394 {strides = array<i32>} : memref<4x4x8x128xf32, #tpu.memory_space<vmem>>, vector<16xf32>,
        %swap3A_624 = arith.constant 1 : i32
        %swap3A_625 = arith.constant 0 : i32
        %swap3A_626 = arith.constant 0 : i32
        %swap3A_627 = arith.constant 0 : i32
        %swap3A_628 = arith.constant 0 : i32
        %swap3A_629 = tpu.memref_slice %arg7[%scan3A_278, %swap3A_625, %swap3A_626, %swap3A_627, %swap3A_628] : memref<2x4x4x8x128xf32, #tpu.memory_space<vmem>> -> memref<1x4x4x8x128xf32, #tpu.memory_space<vmem>>
        %swap3A_630 = tpu.memref_squeeze %swap3A_629 : memref<1x4x4x8x128xf32, #tpu.memory_space<vmem>> -> memref<4x4x8x128xf32, #tpu.memory_space<vmem>>
        %swap3A_631 = arith.index_cast %select_n3A : i32 to index
        %swap3A_632 = arith.index_cast %swap3A_624 : i32 to index
        %swap3A_633 = arith.index_cast %select_n3A_345 : i32 to index
        %swap3A_634 = arith.constant 32 : index
        %swap3A_635 = tpu.vector_load %swap3A_630[%swap3A_631, %swap3A_632, %swap3A_633, %swap3A_634] {strides = array<i32>} : memref<4x4x8x128xf32, #tpu.memory_space<vmem>>, vector<16xf32>,
        tpu.vector_store %swap3A_630[%swap3A_631, %swap3A_632, %swap3A_633, %swap3A_634], %gather3A_399 {strides = array<i32>} : memref<4x4x8x128xf32, #tpu.memory_space<vmem>>, vector<16xf32>,
        %swap3A_636 = arith.constant 1 : i32
        %swap3A_637 = arith.constant 0 : i32
        %swap3A_638 = arith.constant 0 : i32
        %swap3A_639 = arith.constant 0 : i32
        %swap3A_640 = arith.constant 0 : i32
        %swap3A_641 = tpu.memref_slice %arg7[%scan3A_278, %swap3A_637, %swap3A_638, %swap3A_639, %swap3A_640] : memref<2x4x4x8x128xf32, #tpu.memory_space<vmem>> -> memref<1x4x4x8x128xf32, #tpu.memory_space<vmem>>
        %swap3A_642 = tpu.memref_squeeze %swap3A_641 : memref<1x4x4x8x128xf32, #tpu.memory_space<vmem>> -> memref<4x4x8x128xf32, #tpu.memory_space<vmem>>
        %swap3A_643 = arith.index_cast %select_n3A : i32 to index
        %swap3A_644 = arith.index_cast %swap3A_636 : i32 to index
        %swap3A_645 = arith.index_cast %select_n3A_345 : i32 to index
        %swap3A_646 = arith.constant 48 : index
        %swap3A_647 = tpu.vector_load %swap3A_642[%swap3A_643, %swap3A_644, %swap3A_645, %swap3A_646] {strides = array<i32>} : memref<4x4x8x128xf32, #tpu.memory_space<vmem>>, vector<16xf32>,
        tpu.vector_store %swap3A_642[%swap3A_643, %swap3A_644, %swap3A_645, %swap3A_646], %gather3A_404 {strides = array<i32>} : memref<4x4x8x128xf32, #tpu.memory_space<vmem>>, vector<16xf32>,
        %swap3A_648 = arith.constant 1 : i32
        %swap3A_649 = arith.constant 0 : i32
        %swap3A_650 = arith.constant 0 : i32
        %swap3A_651 = arith.constant 0 : i32
        %swap3A_652 = arith.constant 0 : i32
        %swap3A_653 = tpu.memref_slice %arg7[%scan3A_278, %swap3A_649, %swap3A_650, %swap3A_651, %swap3A_652] : memref<2x4x4x8x128xf32, #tpu.memory_space<vmem>> -> memref<1x4x4x8x128xf32, #tpu.memory_space<vmem>>
        %swap3A_654 = tpu.memref_squeeze %swap3A_653 : memref<1x4x4x8x128xf32, #tpu.memory_space<vmem>> -> memref<4x4x8x128xf32, #tpu.memory_space<vmem>>
        %swap3A_655 = arith.index_cast %select_n3A : i32 to index
        %swap3A_656 = arith.index_cast %swap3A_648 : i32 to index
        %swap3A_657 = arith.index_cast %select_n3A_345 : i32 to index
        %swap3A_658 = arith.constant 64 : index
        %swap3A_659 = tpu.vector_load %swap3A_654[%swap3A_655, %swap3A_656, %swap3A_657, %swap3A_658] {strides = array<i32>} : memref<4x4x8x128xf32, #tpu.memory_space<vmem>>, vector<16xf32>,
        tpu.vector_store %swap3A_654[%swap3A_655, %swap3A_656, %swap3A_657, %swap3A_658], %gather3A_409 {strides = array<i32>} : memref<4x4x8x128xf32, #tpu.memory_space<vmem>>, vector<16xf32>,
        %swap3A_660 = arith.constant 1 : i32
        %swap3A_661 = arith.constant 0 : i32
        %swap3A_662 = arith.constant 0 : i32
        %swap3A_663 = arith.constant 0 : i32
        %swap3A_664 = arith.constant 0 : i32
        %swap3A_665 = tpu.memref_slice %arg7[%scan3A_278, %swap3A_661, %swap3A_662, %swap3A_663, %swap3A_664] : memref<2x4x4x8x128xf32, #tpu.memory_space<vmem>> -> memref<1x4x4x8x128xf32, #tpu.memory_space<vmem>>
        %swap3A_666 = tpu.memref_squeeze %swap3A_665 : memref<1x4x4x8x128xf32, #tpu.memory_space<vmem>> -> memref<4x4x8x128xf32, #tpu.memory_space<vmem>>
        %swap3A_667 = arith.index_cast %select_n3A : i32 to index
        %swap3A_668 = arith.index_cast %swap3A_660 : i32 to index
        %swap3A_669 = arith.index_cast %select_n3A_345 : i32 to index
        %swap3A_670 = arith.constant 80 : index
        %swap3A_671 = tpu.vector_load %swap3A_666[%swap3A_667, %swap3A_668, %swap3A_669, %swap3A_670] {strides = array<i32>} : memref<4x4x8x128xf32, #tpu.memory_space<vmem>>, vector<16xf32>,
        tpu.vector_store %swap3A_666[%swap3A_667, %swap3A_668, %swap3A_669, %swap3A_670], %gather3A_414 {strides = array<i32>} : memref<4x4x8x128xf32, #tpu.memory_space<vmem>>, vector<16xf32>,
        %swap3A_672 = arith.constant 1 : i32
        %swap3A_673 = arith.constant 0 : i32
        %swap3A_674 = arith.constant 0 : i32
        %swap3A_675 = arith.constant 0 : i32
        %swap3A_676 = arith.constant 0 : i32
        %swap3A_677 = tpu.memref_slice %arg7[%scan3A_278, %swap3A_673, %swap3A_674, %swap3A_675, %swap3A_676] : memref<2x4x4x8x128xf32, #tpu.memory_space<vmem>> -> memref<1x4x4x8x128xf32, #tpu.memory_space<vmem>>
        %swap3A_678 = tpu.memref_squeeze %swap3A_677 : memref<1x4x4x8x128xf32, #tpu.memory_space<vmem>> -> memref<4x4x8x128xf32, #tpu.memory_space<vmem>>
        %swap3A_679 = arith.index_cast %select_n3A : i32 to index
        %swap3A_680 = arith.index_cast %swap3A_672 : i32 to index
        %swap3A_681 = arith.index_cast %select_n3A_345 : i32 to index
        %swap3A_682 = arith.constant 96 : index
        %swap3A_683 = tpu.vector_load %swap3A_678[%swap3A_679, %swap3A_680, %swap3A_681, %swap3A_682] {strides = array<i32>} : memref<4x4x8x128xf32, #tpu.memory_space<vmem>>, vector<16xf32>,
        tpu.vector_store %swap3A_678[%swap3A_679, %swap3A_680, %swap3A_681, %swap3A_682], %gather3A_419 {strides = array<i32>} : memref<4x4x8x128xf32, #tpu.memory_space<vmem>>, vector<16xf32>,
        %swap3A_684 = arith.constant 1 : i32
        %swap3A_685 = arith.constant 0 : i32
        %swap3A_686 = arith.constant 0 : i32
        %swap3A_687 = arith.constant 0 : i32
        %swap3A_688 = arith.constant 0 : i32
        %swap3A_689 = tpu.memref_slice %arg7[%scan3A_278, %swap3A_685, %swap3A_686, %swap3A_687, %swap3A_688] : memref<2x4x4x8x128xf32, #tpu.memory_space<vmem>> -> memref<1x4x4x8x128xf32, #tpu.memory_space<vmem>>
        %swap3A_690 = tpu.memref_squeeze %swap3A_689 : memref<1x4x4x8x128xf32, #tpu.memory_space<vmem>> -> memref<4x4x8x128xf32, #tpu.memory_space<vmem>>
        %swap3A_691 = arith.index_cast %select_n3A : i32 to index
        %swap3A_692 = arith.index_cast %swap3A_684 : i32 to index
        %swap3A_693 = arith.index_cast %select_n3A_345 : i32 to index
        %swap3A_694 = arith.constant 112 : index
        %swap3A_695 = tpu.vector_load %swap3A_690[%swap3A_691, %swap3A_692, %swap3A_693, %swap3A_694] {strides = array<i32>} : memref<4x4x8x128xf32, #tpu.memory_space<vmem>>, vector<16xf32>,
        tpu.vector_store %swap3A_690[%swap3A_691, %swap3A_692, %swap3A_693, %swap3A_694], %gather3A_424 {strides = array<i32>} : memref<4x4x8x128xf32, #tpu.memory_space<vmem>>, vector<16xf32>,
        %swap3A_696 = arith.constant 2 : i32
        %swap3A_697 = arith.constant 0 : i32
        %swap3A_698 = arith.constant 0 : i32
        %swap3A_699 = arith.constant 0 : i32
        %swap3A_700 = arith.constant 0 : i32
        %swap3A_701 = tpu.memref_slice %arg7[%scan3A_278, %swap3A_697, %swap3A_698, %swap3A_699, %swap3A_700] : memref<2x4x4x8x128xf32, #tpu.memory_space<vmem>> -> memref<1x4x4x8x128xf32, #tpu.memory_space<vmem>>
        %swap3A_702 = tpu.memref_squeeze %swap3A_701 : memref<1x4x4x8x128xf32, #tpu.memory_space<vmem>> -> memref<4x4x8x128xf32, #tpu.memory_space<vmem>>
        %swap3A_703 = arith.index_cast %select_n3A : i32 to index
        %swap3A_704 = arith.index_cast %swap3A_696 : i32 to index
        %swap3A_705 = arith.index_cast %select_n3A_345 : i32 to index
        %swap3A_706 = arith.constant 0 : index
        %swap3A_707 = tpu.vector_load %swap3A_702[%swap3A_703, %swap3A_704, %swap3A_705, %swap3A_706] {strides = array<i32>} : memref<4x4x8x128xf32, #tpu.memory_space<vmem>>, vector<16xf32>,
        tpu.vector_store %swap3A_702[%swap3A_703, %swap3A_704, %swap3A_705, %swap3A_706], %gather3A_429 {strides = array<i32>} : memref<4x4x8x128xf32, #tpu.memory_space<vmem>>, vector<16xf32>,
        %swap3A_708 = arith.constant 2 : i32
        %swap3A_709 = arith.constant 0 : i32
        %swap3A_710 = arith.constant 0 : i32
        %swap3A_711 = arith.constant 0 : i32
        %swap3A_712 = arith.constant 0 : i32
        %swap3A_713 = tpu.memref_slice %arg7[%scan3A_278, %swap3A_709, %swap3A_710, %swap3A_711, %swap3A_712] : memref<2x4x4x8x128xf32, #tpu.memory_space<vmem>> -> memref<1x4x4x8x128xf32, #tpu.memory_space<vmem>>
        %swap3A_714 = tpu.memref_squeeze %swap3A_713 : memref<1x4x4x8x128xf32, #tpu.memory_space<vmem>> -> memref<4x4x8x128xf32, #tpu.memory_space<vmem>>
        %swap3A_715 = arith.index_cast %select_n3A : i32 to index
        %swap3A_716 = arith.index_cast %swap3A_708 : i32 to index
        %swap3A_717 = arith.index_cast %select_n3A_345 : i32 to index
        %swap3A_718 = arith.constant 16 : index
        %swap3A_719 = tpu.vector_load %swap3A_714[%swap3A_715, %swap3A_716, %swap3A_717, %swap3A_718] {strides = array<i32>} : memref<4x4x8x128xf32, #tpu.memory_space<vmem>>, vector<16xf32>,
        tpu.vector_store %swap3A_714[%swap3A_715, %swap3A_716, %swap3A_717, %swap3A_718], %gather3A_434 {strides = array<i32>} : memref<4x4x8x128xf32, #tpu.memory_space<vmem>>, vector<16xf32>,
        %swap3A_720 = arith.constant 2 : i32
        %swap3A_721 = arith.constant 0 : i32
        %swap3A_722 = arith.constant 0 : i32
        %swap3A_723 = arith.constant 0 : i32
        %swap3A_724 = arith.constant 0 : i32
        %swap3A_725 = tpu.memref_slice %arg7[%scan3A_278, %swap3A_721, %swap3A_722, %swap3A_723, %swap3A_724] : memref<2x4x4x8x128xf32, #tpu.memory_space<vmem>> -> memref<1x4x4x8x128xf32, #tpu.memory_space<vmem>>
        %swap3A_726 = tpu.memref_squeeze %swap3A_725 : memref<1x4x4x8x128xf32, #tpu.memory_space<vmem>> -> memref<4x4x8x128xf32, #tpu.memory_space<vmem>>
        %swap3A_727 = arith.index_cast %select_n3A : i32 to index
        %swap3A_728 = arith.index_cast %swap3A_720 : i32 to index
        %swap3A_729 = arith.index_cast %select_n3A_345 : i32 to index
        %swap3A_730 = arith.constant 32 : index
        %swap3A_731 = tpu.vector_load %swap3A_726[%swap3A_727, %swap3A_728, %swap3A_729, %swap3A_730] {strides = array<i32>} : memref<4x4x8x128xf32, #tpu.memory_space<vmem>>, vector<16xf32>,
        tpu.vector_store %swap3A_726[%swap3A_727, %swap3A_728, %swap3A_729, %swap3A_730], %gather3A_439 {strides = array<i32>} : memref<4x4x8x128xf32, #tpu.memory_space<vmem>>, vector<16xf32>,
        %swap3A_732 = arith.constant 2 : i32
        %swap3A_733 = arith.constant 0 : i32
        %swap3A_734 = arith.constant 0 : i32
        %swap3A_735 = arith.constant 0 : i32
        %swap3A_736 = arith.constant 0 : i32
        %swap3A_737 = tpu.memref_slice %arg7[%scan3A_278, %swap3A_733, %swap3A_734, %swap3A_735, %swap3A_736] : memref<2x4x4x8x128xf32, #tpu.memory_space<vmem>> -> memref<1x4x4x8x128xf32, #tpu.memory_space<vmem>>
        %swap3A_738 = tpu.memref_squeeze %swap3A_737 : memref<1x4x4x8x128xf32, #tpu.memory_space<vmem>> -> memref<4x4x8x128xf32, #tpu.memory_space<vmem>>
        %swap3A_739 = arith.index_cast %select_n3A : i32 to index
        %swap3A_740 = arith.index_cast %swap3A_732 : i32 to index
        %swap3A_741 = arith.index_cast %select_n3A_345 : i32 to index
        %swap3A_742 = arith.constant 48 : index
        %swap3A_743 = tpu.vector_load %swap3A_738[%swap3A_739, %swap3A_740, %swap3A_741, %swap3A_742] {strides = array<i32>} : memref<4x4x8x128xf32, #tpu.memory_space<vmem>>, vector<16xf32>,
        tpu.vector_store %swap3A_738[%swap3A_739, %swap3A_740, %swap3A_741, %swap3A_742], %gather3A_444 {strides = array<i32>} : memref<4x4x8x128xf32, #tpu.memory_space<vmem>>, vector<16xf32>,
        %swap3A_744 = arith.constant 2 : i32
        %swap3A_745 = arith.constant 0 : i32
        %swap3A_746 = arith.constant 0 : i32
        %swap3A_747 = arith.constant 0 : i32
        %swap3A_748 = arith.constant 0 : i32
        %swap3A_749 = tpu.memref_slice %arg7[%scan3A_278, %swap3A_745, %swap3A_746, %swap3A_747, %swap3A_748] : memref<2x4x4x8x128xf32, #tpu.memory_space<vmem>> -> memref<1x4x4x8x128xf32, #tpu.memory_space<vmem>>
        %swap3A_750 = tpu.memref_squeeze %swap3A_749 : memref<1x4x4x8x128xf32, #tpu.memory_space<vmem>> -> memref<4x4x8x128xf32, #tpu.memory_space<vmem>>
        %swap3A_751 = arith.index_cast %select_n3A : i32 to index
        %swap3A_752 = arith.index_cast %swap3A_744 : i32 to index
        %swap3A_753 = arith.index_cast %select_n3A_345 : i32 to index
        %swap3A_754 = arith.constant 64 : index
        %swap3A_755 = tpu.vector_load %swap3A_750[%swap3A_751, %swap3A_752, %swap3A_753, %swap3A_754] {strides = array<i32>} : memref<4x4x8x128xf32, #tpu.memory_space<vmem>>, vector<16xf32>,
        tpu.vector_store %swap3A_750[%swap3A_751, %swap3A_752, %swap3A_753, %swap3A_754], %gather3A_449 {strides = array<i32>} : memref<4x4x8x128xf32, #tpu.memory_space<vmem>>, vector<16xf32>,
        %swap3A_756 = arith.constant 2 : i32
        %swap3A_757 = arith.constant 0 : i32
        %swap3A_758 = arith.constant 0 : i32
        %swap3A_759 = arith.constant 0 : i32
        %swap3A_760 = arith.constant 0 : i32
        %swap3A_761 = tpu.memref_slice %arg7[%scan3A_278, %swap3A_757, %swap3A_758, %swap3A_759, %swap3A_760] : memref<2x4x4x8x128xf32, #tpu.memory_space<vmem>> -> memref<1x4x4x8x128xf32, #tpu.memory_space<vmem>>
        %swap3A_762 = tpu.memref_squeeze %swap3A_761 : memref<1x4x4x8x128xf32, #tpu.memory_space<vmem>> -> memref<4x4x8x128xf32, #tpu.memory_space<vmem>>
        %swap3A_763 = arith.index_cast %select_n3A : i32 to index
        %swap3A_764 = arith.index_cast %swap3A_756 : i32 to index
        %swap3A_765 = arith.index_cast %select_n3A_345 : i32 to index
        %swap3A_766 = arith.constant 80 : index
        %swap3A_767 = tpu.vector_load %swap3A_762[%swap3A_763, %swap3A_764, %swap3A_765, %swap3A_766] {strides = array<i32>} : memref<4x4x8x128xf32, #tpu.memory_space<vmem>>, vector<16xf32>,
        tpu.vector_store %swap3A_762[%swap3A_763, %swap3A_764, %swap3A_765, %swap3A_766], %gather3A_454 {strides = array<i32>} : memref<4x4x8x128xf32, #tpu.memory_space<vmem>>, vector<16xf32>,
        %swap3A_768 = arith.constant 2 : i32
        %swap3A_769 = arith.constant 0 : i32
        %swap3A_770 = arith.constant 0 : i32
        %swap3A_771 = arith.constant 0 : i32
        %swap3A_772 = arith.constant 0 : i32
        %swap3A_773 = tpu.memref_slice %arg7[%scan3A_278, %swap3A_769, %swap3A_770, %swap3A_771, %swap3A_772] : memref<2x4x4x8x128xf32, #tpu.memory_space<vmem>> -> memref<1x4x4x8x128xf32, #tpu.memory_space<vmem>>
        %swap3A_774 = tpu.memref_squeeze %swap3A_773 : memref<1x4x4x8x128xf32, #tpu.memory_space<vmem>> -> memref<4x4x8x128xf32, #tpu.memory_space<vmem>>
        %swap3A_775 = arith.index_cast %select_n3A : i32 to index
        %swap3A_776 = arith.index_cast %swap3A_768 : i32 to index
        %swap3A_777 = arith.index_cast %select_n3A_345 : i32 to index
        %swap3A_778 = arith.constant 96 : index
        %swap3A_779 = tpu.vector_load %swap3A_774[%swap3A_775, %swap3A_776, %swap3A_777, %swap3A_778] {strides = array<i32>} : memref<4x4x8x128xf32, #tpu.memory_space<vmem>>, vector<16xf32>,
        tpu.vector_store %swap3A_774[%swap3A_775, %swap3A_776, %swap3A_777, %swap3A_778], %gather3A_459 {strides = array<i32>} : memref<4x4x8x128xf32, #tpu.memory_space<vmem>>, vector<16xf32>,
        %swap3A_780 = arith.constant 2 : i32
        %swap3A_781 = arith.constant 0 : i32
        %swap3A_782 = arith.constant 0 : i32
        %swap3A_783 = arith.constant 0 : i32
        %swap3A_784 = arith.constant 0 : i32
        %swap3A_785 = tpu.memref_slice %arg7[%scan3A_278, %swap3A_781, %swap3A_782, %swap3A_783, %swap3A_784] : memref<2x4x4x8x128xf32, #tpu.memory_space<vmem>> -> memref<1x4x4x8x128xf32, #tpu.memory_space<vmem>>
        %swap3A_786 = tpu.memref_squeeze %swap3A_785 : memref<1x4x4x8x128xf32, #tpu.memory_space<vmem>> -> memref<4x4x8x128xf32, #tpu.memory_space<vmem>>
        %swap3A_787 = arith.index_cast %select_n3A : i32 to index
        %swap3A_788 = arith.index_cast %swap3A_780 : i32 to index
        %swap3A_789 = arith.index_cast %select_n3A_345 : i32 to index
        %swap3A_790 = arith.constant 112 : index
        %swap3A_791 = tpu.vector_load %swap3A_786[%swap3A_787, %swap3A_788, %swap3A_789, %swap3A_790] {strides = array<i32>} : memref<4x4x8x128xf32, #tpu.memory_space<vmem>>, vector<16xf32>,
        tpu.vector_store %swap3A_786[%swap3A_787, %swap3A_788, %swap3A_789, %swap3A_790], %gather3A_464 {strides = array<i32>} : memref<4x4x8x128xf32, #tpu.memory_space<vmem>>, vector<16xf32>,
        %swap3A_792 = arith.constant 3 : i32
        %swap3A_793 = arith.constant 0 : i32
        %swap3A_794 = arith.constant 0 : i32
        %swap3A_795 = arith.constant 0 : i32
        %swap3A_796 = arith.constant 0 : i32
        %swap3A_797 = tpu.memref_slice %arg7[%scan3A_278, %swap3A_793, %swap3A_794, %swap3A_795, %swap3A_796] : memref<2x4x4x8x128xf32, #tpu.memory_space<vmem>> -> memref<1x4x4x8x128xf32, #tpu.memory_space<vmem>>
        %swap3A_798 = tpu.memref_squeeze %swap3A_797 : memref<1x4x4x8x128xf32, #tpu.memory_space<vmem>> -> memref<4x4x8x128xf32, #tpu.memory_space<vmem>>
        %swap3A_799 = arith.index_cast %select_n3A : i32 to index
        %swap3A_800 = arith.index_cast %swap3A_792 : i32 to index
        %swap3A_801 = arith.index_cast %select_n3A_345 : i32 to index
        %swap3A_802 = arith.constant 0 : index
        %swap3A_803 = tpu.vector_load %swap3A_798[%swap3A_799, %swap3A_800, %swap3A_801, %swap3A_802] {strides = array<i32>} : memref<4x4x8x128xf32, #tpu.memory_space<vmem>>, vector<16xf32>,
        tpu.vector_store %swap3A_798[%swap3A_799, %swap3A_800, %swap3A_801, %swap3A_802], %gather3A_469 {strides = array<i32>} : memref<4x4x8x128xf32, #tpu.memory_space<vmem>>, vector<16xf32>,
        %swap3A_804 = arith.constant 3 : i32
        %swap3A_805 = arith.constant 0 : i32
        %swap3A_806 = arith.constant 0 : i32
        %swap3A_807 = arith.constant 0 : i32
        %swap3A_808 = arith.constant 0 : i32
        %swap3A_809 = tpu.memref_slice %arg7[%scan3A_278, %swap3A_805, %swap3A_806, %swap3A_807, %swap3A_808] : memref<2x4x4x8x128xf32, #tpu.memory_space<vmem>> -> memref<1x4x4x8x128xf32, #tpu.memory_space<vmem>>
        %swap3A_810 = tpu.memref_squeeze %swap3A_809 : memref<1x4x4x8x128xf32, #tpu.memory_space<vmem>> -> memref<4x4x8x128xf32, #tpu.memory_space<vmem>>
        %swap3A_811 = arith.index_cast %select_n3A : i32 to index
        %swap3A_812 = arith.index_cast %swap3A_804 : i32 to index
        %swap3A_813 = arith.index_cast %select_n3A_345 : i32 to index
        %swap3A_814 = arith.constant 16 : index
        %swap3A_815 = tpu.vector_load %swap3A_810[%swap3A_811, %swap3A_812, %swap3A_813, %swap3A_814] {strides = array<i32>} : memref<4x4x8x128xf32, #tpu.memory_space<vmem>>, vector<16xf32>,
        tpu.vector_store %swap3A_810[%swap3A_811, %swap3A_812, %swap3A_813, %swap3A_814], %gather3A_474 {strides = array<i32>} : memref<4x4x8x128xf32, #tpu.memory_space<vmem>>, vector<16xf32>,
        %swap3A_816 = arith.constant 3 : i32
        %swap3A_817 = arith.constant 0 : i32
        %swap3A_818 = arith.constant 0 : i32
        %swap3A_819 = arith.constant 0 : i32
        %swap3A_820 = arith.constant 0 : i32
        %swap3A_821 = tpu.memref_slice %arg7[%scan3A_278, %swap3A_817, %swap3A_818, %swap3A_819, %swap3A_820] : memref<2x4x4x8x128xf32, #tpu.memory_space<vmem>> -> memref<1x4x4x8x128xf32, #tpu.memory_space<vmem>>
        %swap3A_822 = tpu.memref_squeeze %swap3A_821 : memref<1x4x4x8x128xf32, #tpu.memory_space<vmem>> -> memref<4x4x8x128xf32, #tpu.memory_space<vmem>>
        %swap3A_823 = arith.index_cast %select_n3A : i32 to index
        %swap3A_824 = arith.index_cast %swap3A_816 : i32 to index
        %swap3A_825 = arith.index_cast %select_n3A_345 : i32 to index
        %swap3A_826 = arith.constant 32 : index
        %swap3A_827 = tpu.vector_load %swap3A_822[%swap3A_823, %swap3A_824, %swap3A_825, %swap3A_826] {strides = array<i32>} : memref<4x4x8x128xf32, #tpu.memory_space<vmem>>, vector<16xf32>,
        tpu.vector_store %swap3A_822[%swap3A_823, %swap3A_824, %swap3A_825, %swap3A_826], %gather3A_479 {strides = array<i32>} : memref<4x4x8x128xf32, #tpu.memory_space<vmem>>, vector<16xf32>,
        %swap3A_828 = arith.constant 3 : i32
        %swap3A_829 = arith.constant 0 : i32
        %swap3A_830 = arith.constant 0 : i32
        %swap3A_831 = arith.constant 0 : i32
        %swap3A_832 = arith.constant 0 : i32
        %swap3A_833 = tpu.memref_slice %arg7[%scan3A_278, %swap3A_829, %swap3A_830, %swap3A_831, %swap3A_832] : memref<2x4x4x8x128xf32, #tpu.memory_space<vmem>> -> memref<1x4x4x8x128xf32, #tpu.memory_space<vmem>>
        %swap3A_834 = tpu.memref_squeeze %swap3A_833 : memref<1x4x4x8x128xf32, #tpu.memory_space<vmem>> -> memref<4x4x8x128xf32, #tpu.memory_space<vmem>>
        %swap3A_835 = arith.index_cast %select_n3A : i32 to index
        %swap3A_836 = arith.index_cast %swap3A_828 : i32 to index
        %swap3A_837 = arith.index_cast %select_n3A_345 : i32 to index
        %swap3A_838 = arith.constant 48 : index
        %swap3A_839 = tpu.vector_load %swap3A_834[%swap3A_835, %swap3A_836, %swap3A_837, %swap3A_838] {strides = array<i32>} : memref<4x4x8x128xf32, #tpu.memory_space<vmem>>, vector<16xf32>,
        tpu.vector_store %swap3A_834[%swap3A_835, %swap3A_836, %swap3A_837, %swap3A_838], %gather3A_484 {strides = array<i32>} : memref<4x4x8x128xf32, #tpu.memory_space<vmem>>, vector<16xf32>,
        %swap3A_840 = arith.constant 3 : i32
        %swap3A_841 = arith.constant 0 : i32
        %swap3A_842 = arith.constant 0 : i32
        %swap3A_843 = arith.constant 0 : i32
        %swap3A_844 = arith.constant 0 : i32
        %swap3A_845 = tpu.memref_slice %arg7[%scan3A_278, %swap3A_841, %swap3A_842, %swap3A_843, %swap3A_844] : memref<2x4x4x8x128xf32, #tpu.memory_space<vmem>> -> memref<1x4x4x8x128xf32, #tpu.memory_space<vmem>>
        %swap3A_846 = tpu.memref_squeeze %swap3A_845 : memref<1x4x4x8x128xf32, #tpu.memory_space<vmem>> -> memref<4x4x8x128xf32, #tpu.memory_space<vmem>>
        %swap3A_847 = arith.index_cast %select_n3A : i32 to index
        %swap3A_848 = arith.index_cast %swap3A_840 : i32 to index
        %swap3A_849 = arith.index_cast %select_n3A_345 : i32 to index
        %swap3A_850 = arith.constant 64 : index
        %swap3A_851 = tpu.vector_load %swap3A_846[%swap3A_847, %swap3A_848, %swap3A_849, %swap3A_850] {strides = array<i32>} : memref<4x4x8x128xf32, #tpu.memory_space<vmem>>, vector<16xf32>,
        tpu.vector_store %swap3A_846[%swap3A_847, %swap3A_848, %swap3A_849, %swap3A_850], %gather3A_489 {strides = array<i32>} : memref<4x4x8x128xf32, #tpu.memory_space<vmem>>, vector<16xf32>,
        %swap3A_852 = arith.constant 3 : i32
        %swap3A_853 = arith.constant 0 : i32
        %swap3A_854 = arith.constant 0 : i32
        %swap3A_855 = arith.constant 0 : i32
        %swap3A_856 = arith.constant 0 : i32
        %swap3A_857 = tpu.memref_slice %arg7[%scan3A_278, %swap3A_853, %swap3A_854, %swap3A_855, %swap3A_856] : memref<2x4x4x8x128xf32, #tpu.memory_space<vmem>> -> memref<1x4x4x8x128xf32, #tpu.memory_space<vmem>>
        %swap3A_858 = tpu.memref_squeeze %swap3A_857 : memref<1x4x4x8x128xf32, #tpu.memory_space<vmem>> -> memref<4x4x8x128xf32, #tpu.memory_space<vmem>>
        %swap3A_859 = arith.index_cast %select_n3A : i32 to index
        %swap3A_860 = arith.index_cast %swap3A_852 : i32 to index
        %swap3A_861 = arith.index_cast %select_n3A_345 : i32 to index
        %swap3A_862 = arith.constant 80 : index
        %swap3A_863 = tpu.vector_load %swap3A_858[%swap3A_859, %swap3A_860, %swap3A_861, %swap3A_862] {strides = array<i32>} : memref<4x4x8x128xf32, #tpu.memory_space<vmem>>, vector<16xf32>,
        tpu.vector_store %swap3A_858[%swap3A_859, %swap3A_860, %swap3A_861, %swap3A_862], %gather3A_494 {strides = array<i32>} : memref<4x4x8x128xf32, #tpu.memory_space<vmem>>, vector<16xf32>,
        %swap3A_864 = arith.constant 3 : i32
        %swap3A_865 = arith.constant 0 : i32
        %swap3A_866 = arith.constant 0 : i32
        %swap3A_867 = arith.constant 0 : i32
        %swap3A_868 = arith.constant 0 : i32
        %swap3A_869 = tpu.memref_slice %arg7[%scan3A_278, %swap3A_865, %swap3A_866, %swap3A_867, %swap3A_868] : memref<2x4x4x8x128xf32, #tpu.memory_space<vmem>> -> memref<1x4x4x8x128xf32, #tpu.memory_space<vmem>>
        %swap3A_870 = tpu.memref_squeeze %swap3A_869 : memref<1x4x4x8x128xf32, #tpu.memory_space<vmem>> -> memref<4x4x8x128xf32, #tpu.memory_space<vmem>>
        %swap3A_871 = arith.index_cast %select_n3A : i32 to index
        %swap3A_872 = arith.index_cast %swap3A_864 : i32 to index
        %swap3A_873 = arith.index_cast %select_n3A_345 : i32 to index
        %swap3A_874 = arith.constant 96 : index
        %swap3A_875 = tpu.vector_load %swap3A_870[%swap3A_871, %swap3A_872, %swap3A_873, %swap3A_874] {strides = array<i32>} : memref<4x4x8x128xf32, #tpu.memory_space<vmem>>, vector<16xf32>,
        tpu.vector_store %swap3A_870[%swap3A_871, %swap3A_872, %swap3A_873, %swap3A_874], %gather3A_499 {strides = array<i32>} : memref<4x4x8x128xf32, #tpu.memory_space<vmem>>, vector<16xf32>,
        %swap3A_876 = arith.constant 3 : i32
        %swap3A_877 = arith.constant 0 : i32
        %swap3A_878 = arith.constant 0 : i32
        %swap3A_879 = arith.constant 0 : i32
        %swap3A_880 = arith.constant 0 : i32
        %swap3A_881 = tpu.memref_slice %arg7[%scan3A_278, %swap3A_877, %swap3A_878, %swap3A_879, %swap3A_880] : memref<2x4x4x8x128xf32, #tpu.memory_space<vmem>> -> memref<1x4x4x8x128xf32, #tpu.memory_space<vmem>>
        %swap3A_882 = tpu.memref_squeeze %swap3A_881 : memref<1x4x4x8x128xf32, #tpu.memory_space<vmem>> -> memref<4x4x8x128xf32, #tpu.memory_space<vmem>>
        %swap3A_883 = arith.index_cast %select_n3A : i32 to index
        %swap3A_884 = arith.index_cast %swap3A_876 : i32 to index
        %swap3A_885 = arith.index_cast %select_n3A_345 : i32 to index
        %swap3A_886 = arith.constant 112 : index
        %swap3A_887 = tpu.vector_load %swap3A_882[%swap3A_883, %swap3A_884, %swap3A_885, %swap3A_886] {strides = array<i32>} : memref<4x4x8x128xf32, #tpu.memory_space<vmem>>, vector<16xf32>,
        tpu.vector_store %swap3A_882[%swap3A_883, %swap3A_884, %swap3A_885, %swap3A_886], %gather3A_504 {strides = array<i32>} : memref<4x4x8x128xf32, #tpu.memory_space<vmem>>, vector<16xf32>,
      }
      %scan3A_283 = arith.constant 32 : i32
      %add3A_284 = arith.constant 1 : i32
      %add3A_285 = arith.addi %mul3A_209, %add3A_284 : i32
      %dma_start3A_286 = arith.constant 1 : i32
      %dma_start3A_287 = arith.constant 0 : i32
      %dma_start3A_288 = arith.constant 0 : i32
      %dma_start3A_289 = arith.constant 0 : i32
      %dma_start3A_290 = arith.constant 0 : i32
      %dma_start3A_291 = tpu.memref_slice %arg7[%dma_start3A_286, %dma_start3A_287, %dma_start3A_288, %dma_start3A_289, %dma_start3A_290] : memref<2x4x4x8x128xf32, #tpu.memory_space<vmem>> -> memref<1x4x4x8x128xf32, #tpu.memory_space<vmem>>
      %dma_start3A_292 = tpu.memref_squeeze %dma_start3A_291 : memref<1x4x4x8x128xf32, #tpu.memory_space<vmem>> -> memref<4x4x8x128xf32, #tpu.memory_space<vmem>>
      %dma_start3A_293 = arith.constant 0 : i32
      %dma_start3A_294 = arith.constant 0 : i32
      %dma_start3A_295 = arith.constant 0 : i32
      %dma_start3A_296 = tpu.memref_slice %arg4[%add3A_285, %dma_start3A_293, %mul3A_4, %dma_start3A_294, %dma_start3A_295] : memref<50x4x128x8x128xf32, #tpu.memory_space<hbm>> -> memref<1x4x4x8x128xf32, #tpu.memory_space<hbm>>
      %dma_start3A_297 = tpu.memref_squeeze %dma_start3A_296 : memref<1x4x4x8x128xf32, #tpu.memory_space<hbm>> -> memref<4x4x8x128xf32, #tpu.memory_space<hbm>>
      %dma_start3A_298 = arith.constant 0 : i32
      %dma_start3A_299 = arith.constant 0 : i32
      %dma_start3A_300 = arith.constant 0 : i32
      %dma_start3A_301 = tpu.memref_slice %arg4[%add3A_285, %dma_start3A_298, %mul3A_4, %dma_start3A_299, %dma_start3A_300] : memref<50x4x128x8x128xf32, #tpu.memory_space<hbm>> -> memref<1x4x4x8x128xf32, #tpu.memory_space<hbm>>
      %dma_start3A_302 = tpu.memref_squeeze %dma_start3A_301 : memref<1x4x4x8x128xf32, #tpu.memory_space<hbm>> -> memref<4x4x8x128xf32, #tpu.memory_space<hbm>>
      %dma_start3A_303 = arith.constant 0 : i32
      %dma_start3A_304 = arith.constant 0 : i32
      %dma_start3A_305 = arith.constant 0 : i32
      %dma_start3A_306 = arith.constant 0 : i32
      %dma_start3A_307 = tpu.memref_slice %arg7[%dma_start3A_286, %dma_start3A_303, %dma_start3A_304, %dma_start3A_305, %dma_start3A_306] : memref<2x4x4x8x128xf32, #tpu.memory_space<vmem>> -> memref<1x4x4x8x128xf32, #tpu.memory_space<vmem>>
      %dma_start3A_308 = tpu.memref_squeeze %dma_start3A_307 : memref<1x4x4x8x128xf32, #tpu.memory_space<vmem>> -> memref<4x4x8x128xf32, #tpu.memory_space<vmem>>
      tpu.enqueue_dma source(%dma_start3A_308 : memref<4x4x8x128xf32, #tpu.memory_space<vmem>>) target(%dma_start3A_302 : memref<4x4x8x128xf32, #tpu.memory_space<hbm>>) target_semaphore(%arg11 : memref<!tpu.dma_semaphore, #tpu.memory_space<semaphore_mem>>)
      %lt3A_309 = arith.constant 24 : i32
      %lt3A_310 = arith.cmpi slt, %scan3A_207, %lt3A_309 : i32
      %convert_element_type3A_311 = arith.extui %lt3A_310 : i1 to i32
      %cond3A_312 = arith.constant 0 : i32
      %cond3A_313 = arith.cmpi ne, %convert_element_type3A_311, %cond3A_312 : i32
      scf.if %cond3A_313 {
        %add3A_314 = arith.constant 3 : i32
        %add3A_315 = arith.addi %mul3A_209, %add3A_314 : i32
        %dma_start3A_316 = arith.constant 1 : i32
        %dma_start3A_317 = arith.constant 0 : i32
        %dma_start3A_318 = arith.constant 0 : i32
        %dma_start3A_319 = tpu.memref_slice %arg6[%dma_start3A_316, %dma_start3A_317, %dma_start3A_318] : memref<2x512x32xf32, #tpu.memory_space<vmem>> -> memref<1x512x32xf32, #tpu.memory_space<vmem>>
        %dma_start3A_320 = tpu.memref_squeeze %dma_start3A_319 : memref<1x512x32xf32, #tpu.memory_space<vmem>> -> memref<512x32xf32, #tpu.memory_space<vmem>>
        %dma_start3A_321 = arith.constant 0 : i32
        %dma_start3A_322 = tpu.memref_slice %arg5[%add3A_315, %dma_start3A_321] : memref<50x512xi32, #tpu.memory_space<vmem>> -> memref<1x512xi32, #tpu.memory_space<vmem>>
        %dma_start3A_323 = tpu.memref_squeeze %dma_start3A_322 : memref<1x512xi32, #tpu.memory_space<vmem>> -> memref<512xi32, #tpu.memory_space<vmem>>
        %dma_start3A_324 = arith.constant 0 : i32
        %dma_start3A_325 = arith.constant 0 : i32
        %dma_start3A_326 = tpu.memref_slice %arg3[%dma_start3A_324, %dma_start3A_325] : memref<1000000x32xf32, #tpu.memory_space<hbm>> -> memref<1000000x32xf32, #tpu.memory_space<hbm>>
        tpu.enqueue_indirect_dma source(%dma_start3A_326 : memref<1000000x32xf32, #tpu.memory_space<hbm>>) target(%dma_start3A_320 : memref<512x32xf32, #tpu.memory_space<vmem>>) offsets(%dma_start3A_323 : memref<512xi32, #tpu.memory_space<vmem>>) semaphore(%arg9 : memref<!tpu.dma_semaphore, #tpu.memory_space<semaphore_mem>>)
      } else {
      }
    }
    %scan3A_159 = arith.constant 25 : i32
    %dma_wait3A = arith.constant 0 : i32
    %dma_wait3A_160 = arith.constant 0 : i32
    %dma_wait3A_161 = arith.constant 0 : i32
    %dma_wait3A_162 = arith.constant 0 : i32
    %dma_wait3A_163 = arith.constant 0 : i32
    %dma_wait3A_164 = arith.constant 0 : i32
    %dma_wait3A_165 = tpu.memref_slice %arg7[%dma_wait3A, %dma_wait3A_161, %dma_wait3A_162, %dma_wait3A_163, %dma_wait3A_164] : memref<2x4x4x8x128xf32, #tpu.memory_space<vmem>> -> memref<1x4x4x8x128xf32, #tpu.memory_space<vmem>>
    %dma_wait3A_166 = tpu.memref_squeeze %dma_wait3A_165 : memref<1x4x4x8x128xf32, #tpu.memory_space<vmem>> -> memref<4x4x8x128xf32, #tpu.memory_space<vmem>>
    %dma_wait3A_167 = arith.constant 0 : i32
    %dma_wait3A_168 = arith.constant 0 : i32
    %dma_wait3A_169 = arith.constant 0 : i32
    %dma_wait3A_170 = tpu.memref_slice %arg4[%dma_wait3A_160, %dma_wait3A_167, %mul3A_4, %dma_wait3A_168, %dma_wait3A_169] : memref<50x4x128x8x128xf32, #tpu.memory_space<hbm>> -> memref<1x4x4x8x128xf32, #tpu.memory_space<hbm>>
    %dma_wait3A_171 = tpu.memref_squeeze %dma_wait3A_170 : memref<1x4x4x8x128xf32, #tpu.memory_space<hbm>> -> memref<4x4x8x128xf32, #tpu.memory_space<hbm>>
    %dma_wait3A_172 = arith.constant 0 : i32
    %dma_wait3A_173 = arith.constant 0 : i32
    %dma_wait3A_174 = arith.constant 0 : i32
    %dma_wait3A_175 = tpu.memref_slice %arg4[%dma_wait3A_160, %dma_wait3A_172, %mul3A_4, %dma_wait3A_173, %dma_wait3A_174] : memref<50x4x128x8x128xf32, #tpu.memory_space<hbm>> -> memref<1x4x4x8x128xf32, #tpu.memory_space<hbm>>
    %dma_wait3A_176 = tpu.memref_squeeze %dma_wait3A_175 : memref<1x4x4x8x128xf32, #tpu.memory_space<hbm>> -> memref<4x4x8x128xf32, #tpu.memory_space<hbm>>
    %dma_wait3A_177 = arith.constant 0 : i32
    %dma_wait3A_178 = arith.constant 0 : i32
    %dma_wait3A_179 = arith.constant 0 : i32
    %dma_wait3A_180 = arith.constant 0 : i32
    %dma_wait3A_181 = tpu.memref_slice %arg7[%dma_wait3A, %dma_wait3A_177, %dma_wait3A_178, %dma_wait3A_179, %dma_wait3A_180] : memref<2x4x4x8x128xf32, #tpu.memory_space<vmem>> -> memref<1x4x4x8x128xf32, #tpu.memory_space<vmem>>
    %dma_wait3A_182 = tpu.memref_squeeze %dma_wait3A_181 : memref<1x4x4x8x128xf32, #tpu.memory_space<vmem>> -> memref<4x4x8x128xf32, #tpu.memory_space<vmem>>
    tpu.wait_dma2 semaphore(%arg10 : memref<!tpu.dma_semaphore, #tpu.memory_space<semaphore_mem>>) src(%dma_wait3A_182 : memref<4x4x8x128xf32, #tpu.memory_space<vmem>>) dst(%dma_wait3A_176 : memref<4x4x8x128xf32, #tpu.memory_space<hbm>>)
    %dma_wait3A_183 = arith.constant 1 : i32
    %dma_wait3A_184 = arith.constant 0 : i32
    %dma_wait3A_185 = arith.constant 0 : i32
    %dma_wait3A_186 = arith.constant 0 : i32
    %dma_wait3A_187 = arith.constant 0 : i32
    %dma_wait3A_188 = arith.constant 0 : i32
    %dma_wait3A_189 = tpu.memref_slice %arg7[%dma_wait3A_183, %dma_wait3A_185, %dma_wait3A_186, %dma_wait3A_187, %dma_wait3A_188] : memref<2x4x4x8x128xf32, #tpu.memory_space<vmem>> -> memref<1x4x4x8x128xf32, #tpu.memory_space<vmem>>
    %dma_wait3A_190 = tpu.memref_squeeze %dma_wait3A_189 : memref<1x4x4x8x128xf32, #tpu.memory_space<vmem>> -> memref<4x4x8x128xf32, #tpu.memory_space<vmem>>
    %dma_wait3A_191 = arith.constant 0 : i32
    %dma_wait3A_192 = arith.constant 0 : i32
    %dma_wait3A_193 = arith.constant 0 : i32
    %dma_wait3A_194 = tpu.memref_slice %arg4[%dma_wait3A_184, %dma_wait3A_191, %mul3A_4, %dma_wait3A_192, %dma_wait3A_193] : memref<50x4x128x8x128xf32, #tpu.memory_space<hbm>> -> memref<1x4x4x8x128xf32, #tpu.memory_space<hbm>>
    %dma_wait3A_195 = tpu.memref_squeeze %dma_wait3A_194 : memref<1x4x4x8x128xf32, #tpu.memory_space<hbm>> -> memref<4x4x8x128xf32, #tpu.memory_space<hbm>>
    %dma_wait3A_196 = arith.constant 0 : i32
    %dma_wait3A_197 = arith.constant 0 : i32
    %dma_wait3A_198 = arith.constant 0 : i32
    %dma_wait3A_199 = tpu.memref_slice %arg4[%dma_wait3A_184, %dma_wait3A_196, %mul3A_4, %dma_wait3A_197, %dma_wait3A_198] : memref<50x4x128x8x128xf32, #tpu.memory_space<hbm>> -> memref<1x4x4x8x128xf32, #tpu.memory_space<hbm>>
    %dma_wait3A_200 = tpu.memref_squeeze %dma_wait3A_199 : memref<1x4x4x8x128xf32, #tpu.memory_space<hbm>> -> memref<4x4x8x128xf32, #tpu.memory_space<hbm>>
    %dma_wait3A_201 = arith.constant 0 : i32
    %dma_wait3A_202 = arith.constant 0 : i32
    %dma_wait3A_203 = arith.constant 0 : i32
    %dma_wait3A_204 = arith.constant 0 : i32
    %dma_wait3A_205 = tpu.memref_slice %arg7[%dma_wait3A_183, %dma_wait3A_201, %dma_wait3A_202, %dma_wait3A_203, %dma_wait3A_204] : memref<2x4x4x8x128xf32, #tpu.memory_space<vmem>> -> memref<1x4x4x8x128xf32, #tpu.memory_space<vmem>>
    %dma_wait3A_206 = tpu.memref_squeeze %dma_wait3A_205 : memref<1x4x4x8x128xf32, #tpu.memory_space<vmem>> -> memref<4x4x8x128xf32, #tpu.memory_space<vmem>>
    tpu.wait_dma2 semaphore(%arg11 : memref<!tpu.dma_semaphore, #tpu.memory_space<semaphore_mem>>) src(%dma_wait3A_206 : memref<4x4x8x128xf32, #tpu.memory_space<vmem>>) dst(%dma_wait3A_200 : memref<4x4x8x128xf32, #tpu.memory_space<hbm>>)
    return
  }
}

</mosaic_0001>

<sc_bundles>
// kernel: kernel.3.cloned.1.call-start
scs
__scs_entry_jumppad:
0x0: {  	(pc) =	sbr.rel $0x88, $3  }
0x1: {  	(tag) =	ssettag $0x0;
	lr =	simm.s32 $0x1  }
0x2: {  	[smem:$0x3F9F] =	sst lr;
	_ =	strace $0xD0000000  }
0x3: {  	_ = 	snop  }
0x4: {  	_ = 	snop  }
0x5: {  	_ = 	snop  }
0x6: {  	_ = 	snop  }
0x7: {  	_ = 	snop  }
__scs_overlays_trampoline_lowered:
0x8: {  	[smem:$0x3FAE] =	sst s0  }
0x9: {  	[smem:$0x3FAF] =	sst s1  }
0xa: {  	[smem:$0x3FB0] =	sst s2  }
0xb: {  	[smem:$0x3FB1] =	sst s3  }
0xc: {  	[smem:$0x3FB2] =	sst s4  }
0xd: {  	[smem:$0x3FB3] =	sst s5  }
0xe: {  	[smem:$0x3FB4] =	sst s6  }
0xf: {  	[smem:$0x3FB5] =	sst s7  }
0x10: {  	[smem:$0x3FB6] =	sst s8  }
0x11: {  	[smem:$0x3FB7] =	sst s9;
	s0 =	simm.s32 @!p0 $0x0  }
0x12: {  	s1 =	sld [smem:$0x3F9D];
	s0 =	simm.s32 @p0 $0x1  }
0x13: {  	[smem:$0x3FB8] =	sst s0;
	s0 =	simm.s32 @!p1 $0x0  }
0x14: {  	s2 =	sld [smem:$0x3F9C];
	s0 =	simm.s32 @p1 $0x1  }
0x15: {  	[smem:$0x3FB9] =	sst s0;
	s0 =	simm.s32 @!p2 $0x0  }
0x16: {  	s3 =	sld [smem:$0x3FDB];
	s0 =	simm.s32 @p2 $0x1  }
0x17: {  	s4 =	simm.s32 $0x1BF5;
	[smem:$0x3FBB] =	sst s0  }
0x18: {  	s0 =	sld [smem:$0x3F9E];
	_ =	swait.ge [sflag:s4], $0x0  }
0x19: {  	s7 =	sld [smem:$0x3F9F]  }
0x1a: {  	s8 =	sadd.s32 $0xFFFFE003, lr  }
0x1b: {  	s9 =	sadd.s32 $0xFFFFFEF7, lr;
	s5 =	simm.s32 $0xFFFFFFFF;
	p2 =	slt.u32 s8, $0xFFFFF086  }
0x1c: {  	p1 =	slt.u32 s9, $0xF7A;
	s5 =	simm.s32 @!p2 $0x0  }
0x1d: {  	s5 =	simm.s32 @p1 $0x1;
	p0 =	seq.s32 s7, s2  }
0x1e: {  	s7 =	smul.u32 @!p0 $0xF7A, s2;
	p2 =	seq.s32 @!p0 s5, $0x0  }
0x1f: {  	s9 =	smul.u32 $0xF7A, s1;
	s8 =	simm.s32 @!p0 $0x1BF5;
	p2 =	por !p2, p0  }
0x20: {  	[sflag:s8] =	ssyncset.s32 @!p0 $0xFFFFF086;
	s6 =	sadd.s32 @!p0 s3, s7;
	s7 =	simm.s32 @!p0 $0x108  }
0x21: {  	s3 =	sadd.s32 s3, s9;
	s6 =	sadd.s32 @!p0 $0x88, s6;
	s7 =	simm.s32 @p2 $0x1082  }
0x22: {  	[simem:s7], [sflag:s8] =	dma.local @!p0 [hbm:s6], $0xF7A  }
0x23: {  	s9 =	sor.u32 $0xD0000000, s2;
	s6 =	simm.s32 $0x108;
	_ =	swait.ge @!p0 [sflag:s8], $0x0  }
0x24: {  	s3 =	sadd.s32 $0x88, s3;
	s6 =	simm.s32 @!p1 $0x1082;
	[sflag:s4] =	ssyncset.s32 $0xFFFFF086  }
0x25: {  	[simem:s6], [sflag:s4] =	dma.local [hbm:s3], $0xF7A  }
0x26: {  	[smem:$0x3F9F] =	sst s1;
	(tag) =	ssettag s2;
	_ =	strace s9  }
0x27: {  	s1 =	sld [smem:$0x3FAF]  }
0x28: {  	s2 =	sld [smem:$0x3FB0]  }
0x29: {  	s4 =	sld [smem:$0x3FB2]  }
0x2a: {  	p0 =	seq.s32 s5, $0x0;
	s5 =	sld [smem:$0x3FB3]  }
0x2b: {  	s6 =	sld [smem:$0x3FB4]  }
0x2c: {  	s7 =	sld [smem:$0x3FB5]  }
0x2d: {  	s3 =	simm.s32 $0x108;
	s8 =	sld [smem:$0x3FB6]  }
0x2e: {  	s3 =	simm.s32 @!p0 $0x1082;
	s9 =	sld [smem:$0x3FB7]  }
0x2f: {  	lr =	sadd.s32 s0, s3;
	s0 =	sld [smem:$0x3FAE]  }
0x30: {  	s3 =	sld [smem:$0x3FB1]  }
0x31: {  	[smem:$0x3FBA] =	sst s10  }
0x32: {  	s10 =	sld [smem:$0x3FB8];
	_ =	sdelay $0x3  }
0x33: {  	p0 =	seq.s32 s10, $0x1;
	s10 =	sld [smem:$0x3FBA];
	_ =	sdelay $0x3  }
0x34: {  	[smem:$0x3FBA] =	sst s10  }
0x35: {  	s10 =	sld [smem:$0x3FB9];
	_ =	sdelay $0x3  }
0x36: {  	p1 =	seq.s32 s10, $0x1;
	s10 =	sld [smem:$0x3FBA];
	_ =	sdelay $0x3  }
0x37: {  	[smem:$0x3FBA] =	sst s10  }
0x38: {  	s10 =	sld [smem:$0x3FBB]  }
0x39: {  	_ = 	snop;
	(pc) =	sbr.ind lr, $3  }
0x3a: {  	_ = 	snop  }
0x3b: {  	_ = 	snop  }
0x3c: {  	p2 =	seq.s32 s10, $0x1;
	s10 =	sld [smem:$0x3FBA]  }
0x3d: {  	_ =	shalt  }
0x3e: {  	_ =	shalt  }
0x3f: {  	_ =	shalt  }
0x40: {  	_ =	shalt  }
0x41: {  	_ =	shalt  }
0x42: {  	_ =	shalt  }
0x43: {  	_ =	shalt  }
0x44: {  	_ =	shalt  }
0x45: {  	_ =	shalt  }
0x46: {  	_ =	shalt  }
0x47: {  	_ =	shalt  }
0x48: {  	_ =	shalt  }
0x49: {  	_ =	shalt  }
0x4a: {  	_ =	shalt  }
0x4b: {  	_ =	shalt  }
0x4c: {  	_ =	shalt  }
0x4d: {  	_ =	shalt  }
0x4e: {  	_ =	shalt  }
0x4f: {  	_ =	shalt  }
0x50: {  	_ =	shalt  }
0x51: {  	_ =	shalt  }
0x52: {  	_ =	shalt  }
0x53: {  	_ =	shalt  }
0x54: {  	_ =	shalt  }
0x55: {  	_ =	shalt  }
0x56: {  	_ =	shalt  }
0x57: {  	_ =	shalt  }
0x58: {  	_ =	shalt  }
0x59: {  	_ =	shalt  }
0x5a: {  	_ =	shalt  }
0x5b: {  	_ =	shalt  }
0x5c: {  	_ =	shalt  }
0x5d: {  	_ =	shalt  }
0x5e: {  	_ =	shalt  }
0x5f: {  	_ =	shalt  }
0x60: {  	_ =	shalt  }
0x61: {  	_ =	shalt  }
0x62: {  	_ =	shalt  }
0x63: {  	_ =	shalt  }
0x64: {  	_ =	shalt  }
0x65: {  	_ =	shalt  }
0x66: {  	_ =	shalt  }
0x67: {  	_ =	shalt  }
0x68: {  	_ =	shalt  }
0x69: {  	_ =	shalt  }
0x6a: {  	_ =	shalt  }
0x6b: {  	_ =	shalt  }
0x6c: {  	_ =	shalt  }
0x6d: {  	_ =	shalt  }
0x6e: {  	_ =	shalt  }
0x6f: {  	_ =	shalt  }
0x70: {  	_ =	shalt  }
0x71: {  	_ =	shalt  }
0x72: {  	_ =	shalt  }
0x73: {  	_ =	shalt  }
0x74: {  	_ =	shalt  }
0x75: {  	_ =	shalt  }
0x76: {  	_ =	shalt  }
0x77: {  	_ =	shalt  }
0x78: {  	_ =	shalt  }
0x79: {  	_ =	shalt  }
0x7a: {  	_ =	shalt  }
0x7b: {  	_ =	shalt  }
0x7c: {  	_ =	shalt  }
0x7d: {  	_ =	shalt  }
0x7e: {  	_ =	shalt  }
0x7f: {  	_ =	shalt  }
0x80: {  	_ =	shalt  }
0x81: {  	_ =	shalt  }
0x82: {  	_ =	shalt  }
0x83: {  	_ =	shalt  }
0x84: {  	_ =	shalt  }
0x85: {  	_ =	shalt  }
0x86: {  	_ =	shalt  }
0x87: {  	_ =	shalt  }
.Lfunc_end0:
.L_simem_size_0:
called_computation_lowered:
.L_overlay_start_0:
0x88: {  	s2 =	sld [smem:$0x3FD9]  }
0x89: {  	s3 =	sld [smem:$0x3FFE];
	_ =	sdelay $0x1  }
0x8a: {  	s1 =	srdreg.scid  }
0x8b: {  	s0 =	sand.u32 $0x1, s1  }
0x8c: {  	s17 =	sshll.u32 s0, $0xA;
	s2 =	sadd.s32 s3, s2  }
0x8d: {  	s2 =	sadd.s32 s2, s17  }
0x8e: {  	[smem:$0x3FC6] =	sst s2  }
0x8f: {  	_ = 	snop  }
0x90: {  	s2 =	sld [smem:$0x3FD0];
	(tm) =	ssettm $0x1  }
0x91: {  	s18 =	sld [smem:$0x3FFB];
	_ =	sdelay $0x3  }
0x92: {  	_ =	strace s18  }
0x93: {  	s3 =	sld [smem:$0x3FFC];
	_ =	sdelay $0x3  }
0x94: {  	_ =	strace s3  }
0x95: {  	s3 =	sld [smem:$0x3FFD];
	_ =	sdelay $0x3  }
0x96: {  	_ =	strace s3  }
0x97: {  	_ =	strace $0x8FFFFFFF  }
0x98: {  	s19 =	sld [smem:$0x3FDB];
	_ =	sdelay $0x1  }
0x99: {  	s4 =	simm.s32 $_scs_section_size  }
0x9a: {  	s5 =	simm.s32 $_size__tile_overlayer_lowered;
	s6 =	simm.s32 $_tile_overlayer_lowered  }
0x9b: {  	s22 =	simm.s32 $0x1BFF;
	s21 =	sshll.u32 s6, $0x1;
	s3 =	sadd.s32 s4, s19  }
0x9c: {  	s7 =	simm.s32 $0x0;
	s20 =	sshll.u32 s5, $0x1;
	s5 =	sadd.s32 s21, s3  }
0x9d: {  	[timem:s7], [sflag:s22] =	dma.local [hbm:s5], s20  }
0x9e: {  	_ =	swait.ge [sflag:s22], s20  }
0x9f: {  	s4 =	ssub.s32 $0x0, s20;
	[sflag:s22] =	ssyncset.done $0x0  }
0xa0: {  	[sflag:s22] =	ssyncadd.s32 s4;
	_ =	sdelay $0x1  }
0xa1: {  	s23 =	simm.s32 $0x1B8B  }
0xa2: {  	_ =	swait.ge [sflag:s23], $0x1  }
0xa3: {  	[sflag:s23] =	ssyncset.done $0x0  }
0xa4: {  	s25 =	simm.s32 $0x1B8E;
	s24 =	sld [smem:$0x3FFE];
	[sflag:s23] =	ssyncadd.s32 $0xFFFFFFFF  }
0xa5: {  	s26 =	simm.s32 $execute0_lowered;
	[smem:$0x3FD2] =	sst s25  }
0xa6: {  	s5 =	sshll.u32 s26, $0x1;
	_ =	strace $0x80000046;
	[dreg:$0x1] =	wrdreg $0xFFFFFFFF  }
0xa7: {  	s28 =	simm.s32 $_size_execute0_lowered;
	s3 =	sadd.s32 s3, s5;
	[dreg:$0x0] =	wrdreg $0x0  }
0xa8: {  	s5 =	sshll.u32 s28, $0x1;
	[dreg:$0x2] =	wrdreg s3  }
0xa9: {  	[dreg:$0x3] =	wrdreg s5  }
0xaa: {  	[dreg:$0x4] =	wrdreg $0xC0  }
0xab: {  	_ =	task [dreg:s7], $0x5FFFF  }
0xac: {  	[dreg:$0x1] =	wrdreg $0xFFFFFFFF  }
0xad: {  	[dreg:$0x0] =	wrdreg $0x60  }
0xae: {  	[dreg:$0x2] =	wrdreg s24  }
0xaf: {  	[dreg:$0x3] =	wrdreg s2  }
0xb0: {  	[dreg:$0x4] =	wrdreg $0x9  }
0xb1: {  	_ =	task.clear_ibuf [dreg:s7], $0x5FFFF;
	_ =	strace $0x90000046  }
0xb2: {  	s29 =	simm.s32 $0x9;
	_ =	strace $0x80000048  }
0xb3: {  	_ =	swait.ge [sflag:s29], $0x1  }
0xb4: {  	[sflag:s29] =	ssyncadd.s32 $0xFFFFFFFF  }
0xb5: {  	_ =	strace $0x90000048  }
0xb6: {  	_ =	sfence  }
0xb7: {  	s30 =	sld [smem:$0x0];
	_ =	sdelay $0x2  }
0xb8: {  	s31 =	sshll.u32 s1, $0xD;
	s1 =	sshrl.u32 s1, $0x2  }
0xb9: {  	s3 =	sand.u32 $0x4000, s31;
	s1 =	sadd.s32 s1, s30  }
0xba: {  	s0 =	sor.u32 s3, s0;
	s1 =	sshll.u32 s1, $0x11  }
0xbb: {  	s0 =	sor.u32 s1, s0  }
0xbc: {  	s0 =	sadd.s32 $0x8F2B, s0  }
0xbd: {  	[sflag:s0] =	ssyncadd.remote.s32 $0x1  }
0xbe: {  	_ =	sfence.sel $0xFFFF  }
0xbf: {  	[dreg:$0x0] =	wrdreg $0xFFFFFFFF;
	(pc) =	sbr.abs _section_cstart, $3  }
0xc0: {  	[dreg:$0x1] =	wrdreg $0xFFFFFFFF  }
0xc1: {  	_ =	task.clear_ibuf [dreg:s7], $0x2FFFF;
	_ =	strace $0x9FFFFFFF  }
0xc2: {  	(tm) =	ssettm $0x7FFFFFFF  }
0xc3: {  	_ =	shalt  }
tec
execute0_lowered:
.L_overlay_start_1:
0x0: {  	(tag) =	ssettag $0x1  }
0x1: {  	v0 =	vlaneseq.u32  }
0x2: {  	s4 =	rddreg [dreg:$0x0];
	v63 =	vmul.u32 $0x20, v0  }
0x3: {  	s2 =	rddreg [dreg:$0x1];
	s3 =	simm.s32 $0x0  }
0x4: {  	[smem:$0x7FF] =	sst s3;
	v22 =	vor.u32 $0x2A00, v63  }
0x5: {  	s0 =	rddreg [dreg:$0x2];
	_ =	strace $0x80000047;
	v23 =	vor.u32 $0x2C00, v63;
	[tilespmem:$0x1FF50] =	vst v22  }
0x6: {  	s5 =	srdreg.scid;
	s1 =	stileid.u32;
	s9 =	simm.s32 $0x200;
	v1 =	vor.u32 $0x200, v63;
	v24 =	vor.u32 $0x2E00, v63;
	[tilespmem:$0x1FF60] =	vst v23  }
0x7: {  	s10 =	simm.s32 $0x4000;
	s11 =	simm.s32 $0x5;
	s12 =	simm.s32 $0x6400;
	v2 =	vor.u32 $0x400, v63;
	v3 =	vor.u32 $0x600, v63;
	v25 =	vor.u32 $0x3000, v63;
	[tilespmem:$0x1FF70] =	vst v24  }
0x8: {  	s13 =	simm.s32 $0xA400;
	s14 =	simm.s32 $0x1;
	s15 =	simm.s32 $0x1000;
	v4 =	vor.u32 $0x800, v63;
	v6 =	vor.u32 $0xA00, v63;
	v26 =	vor.u32 $0x3200, v63;
	[tilespmem:$0x1FF80] =	vst v25  }
0x9: {  	s16 =	simm.s32 $0x20000;
	s17 =	simm.s32 $0xE400;
	s18 =	simm.s32 $0x2;
	v7 =	vor.u32 $0xC00, v63;
	v8 =	vor.u32 $0xE00, v63;
	v27 =	vor.u32 $0x3400, v63;
	[tilespmem:$0x1FF90] =	vst v26  }
0xa: {  	s19 =	simm.s32 $0x4;
	s20 =	simm.s32 $0x12400;
	s21 =	simm.s32 $0x3;
	v9 =	vor.u32 $0x1000, v63;
	v10 =	vor.u32 $0x1200, v63;
	v28 =	vor.u32 $0x3600, v63;
	[tilespmem:$0x1FFA0] =	vst v27  }
.Ltmp0:
0xb: {  	s5 =	sand.u32 $0x1, s5;
	s6 =	sshll.u32 s1, $0x1;
	v11 =	vor.u32 $0x1400, v63;
	v12 =	vor.u32 $0x1600, v63;
	v5 =	vor.u32 $0x3A00, v63;
	[tilespmem:$0x1FFB0] =	vst v28;
	(pc) =	sbr.rel .LBB2_1-.Ltmp0, $4  }
0xc: {  	s22 =	simm.s32 $0x0;
	s6 =	sor.u32 s5, s6;
	s5 =	ssub.s32 $0x2, s5;
	v13 =	vor.u32 $0x1800, v63;
	v14 =	vor.u32 $0x1A00, v63;
	v31 =	vor.u32 $0x3C00, v63;
	[tilespmem:$0x1FFC0] =	vst v5  }
0xd: {  	s7 =	sshll.u32 s6, $0x6;
	s8 =	sshrl.u32 s5, $0x1;
	s6 =	sshll.u32 s6, $0x9;
	v15 =	vor.u32 $0x1C00, v63;
	v16 =	vor.u32 $0x1E00, v63;
	v30 =	vor.u32 $0x3E00, v63;
	[tilespmem:$0x1FFD0] =	vst v31  }
0xe: {  	v17 =	vor.u32 $0x2000, v63;
	v18 =	vor.u32 $0x2200, v63;
	v29 =	vor.u32 $0x3800, v63;
	s7 =	sadd.s32 s7, s4;
	s4 =	sadd.s32 $0xF42A00, s4;
	s8 =	ssub.s32 s5, s8;
	[tilespmem:$0x1FFE0] =	vst v30  }
0xf: {  	v19 =	vor.u32 $0x2400, v63;
	v20 =	vor.u32 $0x2600, v63;
	v21 =	vor.u32 $0x2800, v63;
	[tilespmem:$0x1FFF0] =	vst v29;
	s5 =	sadd.s32 $0x600, s7;
	s7 =	sadd.s32 $0x10000, s2;
	s8 =	smax.u32 s8, $0x1  }
.LBB2_12:
0x10: {  	s22 =	sadd.s32 $0x1, s22  }
0x11: {  	_ =	swait.ge [sflag:s21], $0x4000;
	p0 =	sne.s32 s22, s8  }
.Ltmp1:
0x12: {  	[sflag:s21] =	ssyncset.done $0x0;
	(pc) =	sbr.rel @!p0 .LBB2_13-.Ltmp1, $4  }
0x13: {  	[sflag:s21] =	ssyncadd.s32 $0xFFFFC000  }
0x14: {  	_ =	swait.ge [sflag:s19], $0x4000  }
0x15: {  	[sflag:s19] =	ssyncset.done $0x0  }
0x16: {  	[sflag:s19] =	ssyncadd.s32 $0xFFFFC000  }
.LBB2_1:
0x17: {  	[tilespmem:s3], [sflag:$0x5] =	stream.strided.gather [hbm4b:s5+s9], $0x6400, s10, s9, $0x38;
	[tilespmem:$0x16400] =	vst v63  }
0x18: {  	_ =	swait.ge [sflag:s11], $0x6400  }
0x19: {  	[sflag:s11] =	ssyncset.done $0x0  }
0x1a: {  	[sflag:s11] =	ssyncadd.s32 $0xFFFF9C00  }
0x1b: {  	[tilespmem:s12], [sflag:$0x1] =	stream.indirect.gather [hbm4b:s4+s9], $0x20, s3, s9, $0xb8;
	[tilespmem:$0x16400] =	vst v63  }
0x1c: {  	s23 =	simm.s32 $0x0  }
0x1d: {  	[tilespmem:s13], [sflag:$0x2] =	stream.indirect.gather [hbm4b:s4+s9], $0x20, s9, s9, $0xb8;
	[tilespmem:$0x16400] =	vst v63  }
.LBB2_2:
0x1e: {  	s24 =	simm.s32 $0x0  }
0x1f: {  	v32 =	vmov s24  }
0x20: {  	v32 =	vand.u32 $0x1F, v32  }
0x21: {  	v32 =	vbroadcast v32, $0x0  }
0x22: {  	_ =	swait.ge [sflag:s14], $0x4000  }
0x23: {  	p0 =	seq.s32 s23, $0x0;
	[sflag:s14] =	ssyncset.done $0x0;
	v33 =	vor.u32 v63, v32  }
0x24: {  	s25 =	simm.s32 @!p0 $0x3;
	[sflag:s14] =	ssyncadd.s32 $0xFFFFC000;
	v34 =	vor.u32 v1, v32  }
0x25: {  	_ =	swait.ge @!p0 [sflag:s25], $0x4000;
	v35 =	vor.u32 v2, v32  }
0x26: {  	[sflag:s25] =	ssyncset.done @!p0 $0x0;
	v36 =	vor.u32 v3, v32  }
0x27: {  	v31 =	vmov v30;
	[sflag:s25] =	ssyncadd.s32 @!p0 $0xFFFFC000;
	v37 =	vor.u32 v4, v32;
	v58 =	vor.u32 v30, v32;
	v30 =	vld [tilespmem:$0x1FFC0]  }
0x28: {  	v38 =	vor.u32 v6, v32;
	v0 =	vld.idx.msk [tilespmem:v33+s12+$0x0], $0xffff  }
0x29: {  	v39 =	vor.u32 v7, v32;
	v34 =	vld.idx.msk [tilespmem:v34+s12+$0x0], $0xffff  }
0x2a: {  	v40 =	vor.u32 v8, v32;
	v35 =	vld.idx.msk [tilespmem:v35+s12+$0x0], $0xffff  }
0x2b: {  	v41 =	vor.u32 v9, v32;
	v36 =	vld.idx.msk [tilespmem:v36+s12+$0x0], $0xffff  }
0x2c: {  	v42 =	vor.u32 v10, v32;
	v37 =	vld.idx.msk [tilespmem:v37+s12+$0x0], $0xffff  }
0x2d: {  	v43 =	vor.u32 v11, v32;
	v38 =	vld.idx.msk [tilespmem:v38+s12+$0x0], $0xffff  }
0x2e: {  	v44 =	vor.u32 v12, v32;
	v39 =	vld.idx.msk [tilespmem:v39+s12+$0x0], $0xffff  }
0x2f: {  	v45 =	vor.u32 v13, v32;
	v40 =	vld.idx.msk [tilespmem:v40+s12+$0x0], $0xffff  }
0x30: {  	v46 =	vor.u32 v14, v32;
	v41 =	vld.idx.msk [tilespmem:v41+s12+$0x0], $0xffff  }
0x31: {  	v47 =	vor.u32 v15, v32;
	v42 =	vld.idx.msk [tilespmem:v42+s12+$0x0], $0xffff  }
0x32: {  	v48 =	vor.u32 v16, v32;
	v43 =	vld.idx.msk [tilespmem:v43+s12+$0x0], $0xffff  }
0x33: {  	v49 =	vor.u32 v17, v32;
	v44 =	vld.idx.msk [tilespmem:v44+s12+$0x0], $0xffff  }
0x34: {  	v50 =	vor.u32 v18, v32;
	v45 =	vld.idx.msk [tilespmem:v45+s12+$0x0], $0xffff  }
0x35: {  	v51 =	vor.u32 v19, v32;
	v46 =	vld.idx.msk [tilespmem:v46+s12+$0x0], $0xffff  }
0x36: {  	v52 =	vor.u32 v20, v32;
	v47 =	vld.idx.msk [tilespmem:v47+s12+$0x0], $0xffff  }
0x37: {  	v53 =	vor.u32 v21, v32;
	v48 =	vld.idx.msk [tilespmem:v48+s12+$0x0], $0xffff  }
0x38: {  	v54 =	vor.u32 v22, v32;
	v49 =	vld.idx.msk [tilespmem:v49+s12+$0x0], $0xffff  }
0x39: {  	v55 =	vor.u32 v23, v32;
	v50 =	vld.idx.msk [tilespmem:v50+s12+$0x0], $0xffff  }
0x3a: {  	v51 =	vld.idx.msk [tilespmem:v51+s12+$0x0], $0xffff  }
0x3b: {  	v56 =	vor.u32 v24, v32;
	v52 =	vld.idx.msk [tilespmem:v52+s12+$0x0], $0xffff  }
0x3c: {  	v57 =	vor.u32 v25, v32;
	v53 =	vld.idx.msk [tilespmem:v53+s12+$0x0], $0xffff  }
0x3d: {  	v54 =	vld.idx.msk [tilespmem:v54+s12+$0x0], $0xffff  }
0x3e: {  	v59 =	vor.u32 v26, v32;
	v55 =	vld.idx.msk [tilespmem:v55+s12+$0x0], $0xffff  }
0x3f: {  	v60 =	vor.u32 v27, v32;
	[tilespmem:$0x1FF40] =	vst v0;
	v0 =	vld [tilespmem:$0x1FFD0]  }
0x40: {  	v56 =	vld.idx.msk [tilespmem:v56+s12+$0x0], $0xffff  }
0x41: {  	v61 =	vor.u32 v28, v32;
	v57 =	vld.idx.msk [tilespmem:v57+s12+$0x0], $0xffff  }
0x42: {  	v5 =	vmov v4;
	v62 =	vor.u32 v29, v32;
	v58 =	vld.idx.msk [tilespmem:v58+s12+$0x0], $0xffff  }
0x43: {  	v4 =	vmovc v3;
	v3 =	vmovc v2;
	v2 =	vmov v1;
	v1 =	vmov v63;
	v63 =	vor.u32 v30, v32;
	v59 =	vld.idx.msk [tilespmem:v59+s12+$0x0], $0xffff  }
0x44: {  	v60 =	vld.idx.msk [tilespmem:v60+s12+$0x0], $0xffff;
	v32 =	vor.u32 v0, v32  }
0x45: {  	v29 =	vmov v0;
	v0 =	vld [tilespmem:$0x1FF40]  }
0x46: {  	v61 =	vld.idx.msk [tilespmem:v61+s12+$0x0], $0xffff  }
0x47: {  	s30 =	sand.u32 $0x3000, s24;
	s26 =	sand.u32 $0x380, s24;
	v62 =	vld.idx.msk [tilespmem:v62+s12+$0x0], $0xffff  }
0x48: {  	s25 =	sor.u32 s26, s30;
	v63 =	vld.idx.msk [tilespmem:v63+s12+$0x0], $0xffff  }
0x49: {  	v33 =	vld.idx.msk [tilespmem:v32+s12+$0x0], $0xffff;
	[tilespmem:s25+$0xF070] =	vst v58  }
0x4a: {  	[tilespmem:s25+$0xE400] =	vst v0  }
0x4b: {  	[tilespmem:s25+$0xE410] =	vst v34  }
0x4c: {  	[tilespmem:s25+$0xE420] =	vst v35  }
0x4d: {  	[tilespmem:s25+$0xE430] =	vst v36  }
0x4e: {  	[tilespmem:s25+$0xE440] =	vst v37  }
0x4f: {  	[tilespmem:s25+$0xE450] =	vst v38  }
0x50: {  	[tilespmem:s25+$0xE460] =	vst v39  }
0x51: {  	[tilespmem:s25+$0xE470] =	vst v40  }
0x52: {  	[tilespmem:s25+$0xE800] =	vst v41  }
0x53: {  	[tilespmem:s25+$0xE810] =	vst v42  }
0x54: {  	[tilespmem:s25+$0xE820] =	vst v43  }
0x55: {  	[tilespmem:s25+$0xE830] =	vst v44  }
0x56: {  	[tilespmem:s25+$0xE840] =	vst v45  }
0x57: {  	[tilespmem:s25+$0xE850] =	vst v46  }
0x58: {  	[tilespmem:s25+$0xE860] =	vst v47  }
0x59: {  	[tilespmem:s25+$0xE870] =	vst v48  }
0x5a: {  	[tilespmem:s25+$0xEC00] =	vst v49  }
0x5b: {  	[tilespmem:s25+$0xEC10] =	vst v50  }
0x5c: {  	[tilespmem:s25+$0xEC20] =	vst v51  }
0x5d: {  	[tilespmem:s25+$0xEC30] =	vst v52  }
0x5e: {  	[tilespmem:s25+$0xEC40] =	vst v53  }
0x5f: {  	s31 =	simm.s32 $0x1;
	[tilespmem:s25+$0xEC50] =	vst v54  }
0x60: {  	v46 =	vmov s31;
	[tilespmem:s25+$0xEC60] =	vst v55  }
0x61: {  	[tilespmem:s25+$0xEC70] =	vst v56;
	v32 =	vand.u32 $0x1F, v46  }
0x62: {  	[tilespmem:s25+$0xF000] =	vst v57;
	v32 =	vbroadcast v32, $0x0  }
0x63: {  	[tilespmem:s25+$0xF010] =	vst v59  }
0x64: {  	[tilespmem:s25+$0xF020] =	vst v60;
	v47 =	vor.u32 v1, v32  }
0x65: {  	[tilespmem:s25+$0xF030] =	vst v61;
	v48 =	vor.u32 v2, v32  }
0x66: {  	[tilespmem:s25+$0xF040] =	vst v62;
	v49 =	vor.u32 v3, v32  }
0x67: {  	[tilespmem:s25+$0xF050] =	vst v63;
	v50 =	vor.u32 v4, v32  }
0x68: {  	v51 =	vor.u32 v5, v32;
	[tilespmem:s25+$0xF060] =	vst v33  }
0x69: {  	v52 =	vor.u32 v6, v32;
	v33 =	vld.idx.msk [tilespmem:v47+s12+$0x0], $0xffff  }
0x6a: {  	v53 =	vor.u32 v7, v32;
	v34 =	vld.idx.msk [tilespmem:v48+s12+$0x0], $0xffff  }
0x6b: {  	v54 =	vor.u32 v8, v32;
	v35 =	vld.idx.msk [tilespmem:v49+s12+$0x0], $0xffff  }
0x6c: {  	v55 =	vor.u32 v9, v32;
	v36 =	vld.idx.msk [tilespmem:v50+s12+$0x0], $0xffff  }
0x6d: {  	v56 =	vor.u32 v10, v32;
	v37 =	vld.idx.msk [tilespmem:v51+s12+$0x0], $0xffff  }
0x6e: {  	v57 =	vor.u32 v11, v32;
	v38 =	vld.idx.msk [tilespmem:v52+s12+$0x0], $0xffff  }
0x6f: {  	v58 =	vor.u32 v12, v32;
	v39 =	vld.idx.msk [tilespmem:v53+s12+$0x0], $0xffff  }
0x70: {  	v59 =	vor.u32 v13, v32;
	v40 =	vld.idx.msk [tilespmem:v54+s12+$0x0], $0xffff  }
0x71: {  	v60 =	vor.u32 v14, v32;
	v41 =	vld.idx.msk [tilespmem:v55+s12+$0x0], $0xffff  }
0x72: {  	v61 =	vor.u32 v15, v32;
	v42 =	vld.idx.msk [tilespmem:v56+s12+$0x0], $0xffff  }
0x73: {  	v62 =	vor.u32 v16, v32;
	v43 =	vld.idx.msk [tilespmem:v57+s12+$0x0], $0xffff  }
0x74: {  	v63 =	vor.u32 v17, v32;
	v44 =	vld.idx.msk [tilespmem:v58+s12+$0x0], $0xffff  }
0x75: {  	v45 =	vld.idx.msk [tilespmem:v59+s12+$0x0], $0xffff  }
0x76: {  	v46 =	vld.idx.msk [tilespmem:v60+s12+$0x0], $0xffff  }
0x77: {  	v47 =	vld.idx.msk [tilespmem:v61+s12+$0x0], $0xffff  }
0x78: {  	v54 =	vor.u32 v18, v32;
	v52 =	vor.u32 v19, v32;
	v48 =	vld.idx.msk [tilespmem:v62+s12+$0x0], $0xffff  }
0x79: {  	s26 =	simm.s32 $0x2;
	s25 =	simm.s32 $0x0;
	v53 =	vor.u32 v20, v32;
	v50 =	vor.u32 v21, v32;
	v49 =	vld.idx.msk [tilespmem:v63+s12+$0x0], $0xffff;
	v51 =	vor.u32 v22, v32  }
.LBB2_3:
0x7a: {  	_ =	sdelay $0x2  }
0x7b: {  	v54 =	vld.idx.msk [tilespmem:v54+s12+$0x0], $0xffff  }
0x7c: {  	v55 =	vor.u32 v23, v32;
	v52 =	vld.idx.msk [tilespmem:v52+s12+$0x0], $0xffff  }
0x7d: {  	v56 =	vor.u32 v24, v32;
	v53 =	vld.idx.msk [tilespmem:v53+s12+$0x0], $0xffff  }
0x7e: {  	v57 =	vor.u32 v25, v32;
	v50 =	vld.idx.msk [tilespmem:v50+s12+$0x0], $0xffff  }
0x7f: {  	v58 =	vor.u32 v31, v32;
	v0 =	vld [tilespmem:$0x1FFF0]  }
0x80: {  	v51 =	vld.idx.msk [tilespmem:v51+s12+$0x0], $0xffff;
	v59 =	vor.u32 v26, v32  }
0x81: {  	v60 =	vor.u32 v27, v32;
	v55 =	vld.idx.msk [tilespmem:v55+s12+$0x0], $0xffff  }
0x82: {  	v61 =	vor.u32 v28, v32;
	v56 =	vld.idx.msk [tilespmem:v56+s12+$0x0], $0xffff  }
0x83: {  	v63 =	vor.u32 v30, v32;
	v57 =	vld.idx.msk [tilespmem:v57+s12+$0x0], $0xffff  }
0x84: {  	v62 =	vor.u32 v0, v32;
	v58 =	vld.idx.msk [tilespmem:v58+s12+$0x0], $0xffff  }
0x85: {  	v59 =	vld.idx.msk [tilespmem:v59+s12+$0x0], $0xffff;
	v32 =	vor.u32 v29, v32  }
0x86: {  	v60 =	vld.idx.msk [tilespmem:v60+s12+$0x0], $0xffff  }
0x87: {  	s24 =	sadd.s32 $0x200, s24;
	s25 =	sadd.s32 $0x80, s25;
	v61 =	vld.idx.msk [tilespmem:v61+s12+$0x0], $0xffff  }
0x88: {  	s28 =	sand.u32 $0x3000, s24;
	s29 =	sand.u32 $0x380, s25;
	v63 =	vld.idx.msk [tilespmem:v63+s12+$0x0], $0xffff  }
0x89: {  	s28 =	sor.u32 s29, s28;
	v62 =	vld.idx.msk [tilespmem:v62+s12+$0x0], $0xffff  }
0x8a: {  	v0 =	vld.idx.msk [tilespmem:v32+s12+$0x0], $0xffff;
	[tilespmem:s28+$0xF070] =	vst v58  }
0x8b: {  	[tilespmem:s28+$0xE400] =	vst v33  }
0x8c: {  	[tilespmem:s28+$0xE410] =	vst v34  }
0x8d: {  	[tilespmem:s28+$0xE420] =	vst v35  }
0x8e: {  	[tilespmem:s28+$0xE430] =	vst v36  }
0x8f: {  	[tilespmem:s28+$0xE440] =	vst v37  }
0x90: {  	[tilespmem:s28+$0xE450] =	vst v38  }
0x91: {  	[tilespmem:s28+$0xE460] =	vst v39  }
0x92: {  	[tilespmem:s28+$0xE470] =	vst v40  }
0x93: {  	[tilespmem:s28+$0xE800] =	vst v41  }
0x94: {  	[tilespmem:s28+$0xE810] =	vst v42  }
0x95: {  	[tilespmem:s28+$0xE820] =	vst v43  }
0x96: {  	[tilespmem:s28+$0xE830] =	vst v44  }
0x97: {  	[tilespmem:s28+$0xE840] =	vst v45  }
0x98: {  	[tilespmem:s28+$0xE850] =	vst v46  }
0x99: {  	[tilespmem:s28+$0xE860] =	vst v47  }
0x9a: {  	[tilespmem:s28+$0xE870] =	vst v48  }
0x9b: {  	[tilespmem:s28+$0xEC00] =	vst v49  }
0x9c: {  	[tilespmem:s28+$0xEC10] =	vst v54  }
0x9d: {  	[tilespmem:s28+$0xEC20] =	vst v52  }
0x9e: {  	[tilespmem:s28+$0xEC30] =	vst v53  }
0x9f: {  	[tilespmem:s28+$0xEC40] =	vst v50  }
0xa0: {  	[tilespmem:s28+$0xEC50] =	vst v51  }
0xa1: {  	v49 =	vmov s26;
	[tilespmem:s28+$0xEC60] =	vst v55  }
0xa2: {  	[tilespmem:s28+$0xEC70] =	vst v56;
	v32 =	vand.u32 $0x1F, v49  }
0xa3: {  	[tilespmem:s28+$0xF000] =	vst v57;
	v32 =	vbroadcast v32, $0x0  }
0xa4: {  	[tilespmem:s28+$0xF010] =	vst v59  }
0xa5: {  	[tilespmem:s28+$0xF020] =	vst v60;
	v50 =	vor.u32 v1, v32  }
0xa6: {  	[tilespmem:s28+$0xF030] =	vst v61;
	v51 =	vor.u32 v2, v32  }
0xa7: {  	[tilespmem:s28+$0xF050] =	vst v63;
	v52 =	vor.u32 v3, v32  }
0xa8: {  	v53 =	vor.u32 v4, v32;
	[tilespmem:s28+$0xF040] =	vst v62  }
0xa9: {  	v54 =	vor.u32 v5, v32;
	[tilespmem:s28+$0xF060] =	vst v0  }
0xaa: {  	v55 =	vor.u32 v7, v32;
	v33 =	vld.idx.msk [tilespmem:v50+s12+$0x0], $0xffff  }
0xab: {  	v0 =	vor.u32 v6, v32;
	v34 =	vld.idx.msk [tilespmem:v51+s12+$0x0], $0xffff  }
0xac: {  	v56 =	vor.u32 v8, v32;
	v35 =	vld.idx.msk [tilespmem:v52+s12+$0x0], $0xffff  }
0xad: {  	v57 =	vor.u32 v9, v32;
	v36 =	vld.idx.msk [tilespmem:v53+s12+$0x0], $0xffff  }
0xae: {  	v58 =	vor.u32 v10, v32;
	v37 =	vld.idx.msk [tilespmem:v54+s12+$0x0], $0xffff  }
0xaf: {  	v59 =	vor.u32 v12, v32;
	v39 =	vld.idx.msk [tilespmem:v55+s12+$0x0], $0xffff  }
0xb0: {  	v38 =	vld.idx.msk [tilespmem:v0+s12+$0x0], $0xffff;
	v0 =	vor.u32 v11, v32  }
0xb1: {  	v60 =	vor.u32 v13, v32;
	v40 =	vld.idx.msk [tilespmem:v56+s12+$0x0], $0xffff  }
0xb2: {  	v61 =	vor.u32 v14, v32;
	v41 =	vld.idx.msk [tilespmem:v57+s12+$0x0], $0xffff  }
0xb3: {  	v63 =	vor.u32 v17, v32;
	v42 =	vld.idx.msk [tilespmem:v58+s12+$0x0], $0xffff  }
0xb4: {  	v62 =	vor.u32 v15, v32;
	v44 =	vld.idx.msk [tilespmem:v59+s12+$0x0], $0xffff  }
0xb5: {  	p1 =	sne.s32 s26, $0x1F;
	v43 =	vld.idx.msk [tilespmem:v0+s12+$0x0], $0xffff;
	v0 =	vor.u32 v16, v32  }
.Ltmp2:
0xb6: {  	v45 =	vld.idx.msk [tilespmem:v60+s12+$0x0], $0xffff;
	(pc) =	sbr.rel @p1 .LBB2_3-.Ltmp2, $4  }
0xb7: {  	v46 =	vld.idx.msk [tilespmem:v61+s12+$0x0], $0xffff  }
0xb8: {  	v49 =	vld.idx.msk [tilespmem:v63+s12+$0x0], $0xffff  }
0xb9: {  	v54 =	vor.u32 v18, v32;
	v52 =	vor.u32 v19, v32;
	v47 =	vld.idx.msk [tilespmem:v62+s12+$0x0], $0xffff  }
0xba: {  	s26 =	sadd.s32 $0x1, s26;
	v53 =	vor.u32 v20, v32;
	v50 =	vor.u32 v21, v32;
	v51 =	vor.u32 v22, v32;
	v48 =	vld.idx.msk [tilespmem:v0+s12+$0x0], $0xffff  }
0xbb: {  	_ =	sdelay $0x3  }
0xbc: {  	v0 =	vld.idx.msk [tilespmem:v54+s12+$0x0], $0xffff  }
0xbd: {  	v62 =	vor.u32 v23, v32;
	v52 =	vld.idx.msk [tilespmem:v52+s12+$0x0], $0xffff  }
0xbe: {  	v55 =	vor.u32 v24, v32;
	v53 =	vld.idx.msk [tilespmem:v53+s12+$0x0], $0xffff  }
0xbf: {  	v56 =	vor.u32 v25, v32;
	v50 =	vld.idx.msk [tilespmem:v50+s12+$0x0], $0xffff  }
0xc0: {  	v63 =	vmov v1;
	v57 =	vor.u32 v31, v32;
	v1 =	vld [tilespmem:$0x1FFF0]  }
0xc1: {  	v51 =	vld.idx.msk [tilespmem:v51+s12+$0x0], $0xffff;
	v58 =	vor.u32 v26, v32  }
0xc2: {  	v59 =	vor.u32 v27, v32;
	v54 =	vld.idx.msk [tilespmem:v62+s12+$0x0], $0xffff  }
0xc3: {  	v60 =	vor.u32 v28, v32;
	v55 =	vld.idx.msk [tilespmem:v55+s12+$0x0], $0xffff  }
0xc4: {  	v27 =	vor.u32 v29, v32;
	v56 =	vld.idx.msk [tilespmem:v56+s12+$0x0], $0xffff  }
0xc5: {  	v61 =	vor.u32 v1, v32;
	v57 =	vld.idx.msk [tilespmem:v57+s12+$0x0], $0xffff  }
0xc6: {  	v62 =	vor.u32 v30, v32;
	v58 =	vld.idx.msk [tilespmem:v58+s12+$0x0], $0xffff  }
0xc7: {  	v59 =	vld.idx.msk [tilespmem:v59+s12+$0x0], $0xffff  }
0xc8: {  	s24 =	sadd.s32 $0x200, s24;
	s25 =	sadd.s32 $0x80, s25;
	v60 =	vld.idx.msk [tilespmem:v60+s12+$0x0], $0xffff  }
0xc9: {  	s24 =	sand.u32 $0x3000, s24;
	s25 =	sand.u32 $0x380, s25;
	v32 =	vld.idx.msk [tilespmem:v27+s12+$0x0], $0xffff  }
0xca: {  	s25 =	sor.u32 s25, s24;
	v61 =	vld.idx.msk [tilespmem:v61+s12+$0x0], $0xffff  }
0xcb: {  	v62 =	vld.idx.msk [tilespmem:v62+s12+$0x0], $0xffff;
	[tilespmem:s25+$0xF070] =	vst v57  }
0xcc: {  	[tilespmem:s25+$0xE400] =	vst v33  }
0xcd: {  	[tilespmem:s25+$0xE410] =	vst v34  }
0xce: {  	[tilespmem:s25+$0xE420] =	vst v35  }
0xcf: {  	[tilespmem:s25+$0xE430] =	vst v36  }
0xd0: {  	[tilespmem:s25+$0xE440] =	vst v37  }
0xd1: {  	[tilespmem:s25+$0xE450] =	vst v38  }
0xd2: {  	[tilespmem:s25+$0xE460] =	vst v39  }
0xd3: {  	[tilespmem:s25+$0xE470] =	vst v40  }
0xd4: {  	[tilespmem:s25+$0xE800] =	vst v41  }
0xd5: {  	[tilespmem:s25+$0xE810] =	vst v42  }
0xd6: {  	[tilespmem:s25+$0xE820] =	vst v43  }
0xd7: {  	[tilespmem:s25+$0xE830] =	vst v44  }
0xd8: {  	[tilespmem:s25+$0xE840] =	vst v45  }
0xd9: {  	[tilespmem:s25+$0xE850] =	vst v46  }
0xda: {  	[tilespmem:s25+$0xE860] =	vst v47  }
0xdb: {  	[tilespmem:s25+$0xE870] =	vst v48  }
0xdc: {  	[tilespmem:s25+$0xEC00] =	vst v49  }
0xdd: {  	[tilespmem:s25+$0xEC10] =	vst v0  }
0xde: {  	[tilespmem:s25+$0xEC20] =	vst v52  }
0xdf: {  	[tilespmem:s25+$0xEC30] =	vst v53  }
0xe0: {  	[tilespmem:s25+$0xEC40] =	vst v50  }
0xe1: {  	[tilespmem:s25+$0xEC50] =	vst v51  }
0xe2: {  	[tilespmem:s25+$0xEC60] =	vst v54  }
0xe3: {  	[tilespmem:s25+$0xEC70] =	vst v55  }
0xe4: {  	[tilespmem:s25+$0xF000] =	vst v56  }
0xe5: {  	[tilespmem:s25+$0xF010] =	vst v58  }
0xe6: {  	p1 =	sne.s32 s23, $0x18;
	[tilespmem:s25+$0xF020] =	vst v59  }
.Ltmp3:
0xe7: {  	[tilespmem:s25+$0xF030] =	vst v60;
	(pc) =	sbr.rel @p1 .LBB2_6-.Ltmp3, $4  }
0xe8: {  	s30 =	sshll.u32 s23, $0x11;
	[tilespmem:s25+$0xF060] =	vst v32  }
0xe9: {  	s24 =	sor.u32 s6, s30;
	[tilespmem:s25+$0xF040] =	vst v61  }
0xea: {  	s31 =	sadd.s32 s2, s24;
	[tilespmem:s25+$0xF050] =	vst v62  }
0xeb: {  	v22 =	vmov v5;
	v31 =	vmov v29;
	v5 =	vmov v1;
	[hbm4b:s31+s15] =	stream.strided.scatter [tilespmem:s17], [sflag:$0x3], $0x4000, s16, s15, $0x38;
	[tilespmem:$0x16400] =	vst v63  }
.Ltmp4:
0xec: {  	(pc) =	sbr.rel .LBB2_7-.Ltmp4, $4  }
0xed: {  	_ = 	snop  }
0xee: {  	_ =	swait.ge [sflag:s18], $0x4000  }
0xef: {  	[sflag:s18] =	ssyncset.done $0x0  }
0xf0: {  	v1 =	vmov v2;
	[sflag:s18] =	ssyncadd.s32 $0xFFFFC000  }
.LBB2_6:
0xf1: {  	s25 =	sshll.u32 s23, $0xA  }
0xf2: {  	s25 =	sand.u32 $0x3FFFFC00, s25  }
.Ltmp5:
0xf3: {  	s25 =	sadd.s32 $0x400, s25;
	(pc) =	sbr.rel @p0 .LBB2_8-.Ltmp5, $4  }
0xf4: {  	[tilespmem:s12], [sflag:$0x1] =	stream.indirect.gather [hbm4b:s4+s9], $0x20, s25, s9, $0xb8;
	[tilespmem:$0x16400] =	vst v63  }
0xf5: {  	_ =	swait.ge [sflag:s18], $0x4000  }
0xf6: {  	[sflag:s18] =	ssyncset.done $0x0  }
0xf7: {  	v1 =	vmov v2;
	[sflag:s18] =	ssyncadd.s32 $0xFFFFC000  }
.LBB2_7:
0xf8: {  	_ =	swait.ge [sflag:s19], $0x4000  }
0xf9: {  	[sflag:s19] =	ssyncset.done $0x0  }
0xfa: {  	[sflag:s19] =	ssyncadd.s32 $0xFFFFC000  }
.LBB2_8:
0xfb: {  	v2 =	vmov v3;
	v3 =	vmov v4;
	v4 =	vmov v22;
	v22 =	vld [tilespmem:$0x1FF50]  }
0xfc: {  	v23 =	vld [tilespmem:$0x1FF60]  }
0xfd: {  	v24 =	vld [tilespmem:$0x1FF70]  }
0xfe: {  	v25 =	vld [tilespmem:$0x1FF80]  }
0xff: {  	v26 =	vld [tilespmem:$0x1FF90]  }
0x100: {  	v27 =	vld [tilespmem:$0x1FFA0]  }
0x101: {  	v28 =	vld [tilespmem:$0x1FFB0]  }
0x102: {  	v29 =	vmov v5;
	v5 =	vld [tilespmem:$0x1FFC0]  }
0x103: {  	s25 =	simm.s32 $0x0;
	s26 =	simm.s32 $0x0;
	s28 =	simm.s32 $0x0;
	v30 =	vld [tilespmem:$0x1FFE0]  }
.LBB2_9:
0x104: {  	v0 =	vmov s28  }
0x105: {  	v0 =	vand.u32 $0x1F, v0  }
0x106: {  	v0 =	vbroadcast v0, $0x0;
	_ =	sdelay $0x1  }
0x107: {  	v32 =	vor.u32 v63, v0  }
0x108: {  	v33 =	vor.u32 v1, v0  }
0x109: {  	v34 =	vor.u32 v2, v0  }
0x10a: {  	v35 =	vor.u32 v3, v0  }
0x10b: {  	v36 =	vor.u32 v4, v0  }
0x10c: {  	v37 =	vor.u32 v6, v0;
	v32 =	vld.idx.msk [tilespmem:v32+s13+$0x0], $0xffff  }
0x10d: {  	v38 =	vor.u32 v7, v0;
	v33 =	vld.idx.msk [tilespmem:v33+s13+$0x0], $0xffff  }
0x10e: {  	v39 =	vor.u32 v8, v0;
	v34 =	vld.idx.msk [tilespmem:v34+s13+$0x0], $0xffff  }
0x10f: {  	v40 =	vor.u32 v9, v0;
	v35 =	vld.idx.msk [tilespmem:v35+s13+$0x0], $0xffff  }
0x110: {  	v41 =	vor.u32 v10, v0;
	v36 =	vld.idx.msk [tilespmem:v36+s13+$0x0], $0xffff  }
0x111: {  	v42 =	vor.u32 v11, v0;
	v37 =	vld.idx.msk [tilespmem:v37+s13+$0x0], $0xffff  }
0x112: {  	v43 =	vor.u32 v12, v0;
	v38 =	vld.idx.msk [tilespmem:v38+s13+$0x0], $0xffff  }
0x113: {  	v44 =	vor.u32 v13, v0;
	v39 =	vld.idx.msk [tilespmem:v39+s13+$0x0], $0xffff  }
0x114: {  	v45 =	vor.u32 v14, v0;
	v40 =	vld.idx.msk [tilespmem:v40+s13+$0x0], $0xffff  }
0x115: {  	v46 =	vor.u32 v15, v0;
	v41 =	vld.idx.msk [tilespmem:v41+s13+$0x0], $0xffff  }
0x116: {  	v47 =	vor.u32 v16, v0;
	v42 =	vld.idx.msk [tilespmem:v42+s13+$0x0], $0xffff  }
0x117: {  	v48 =	vor.u32 v17, v0;
	v43 =	vld.idx.msk [tilespmem:v43+s13+$0x0], $0xffff  }
0x118: {  	v49 =	vor.u32 v18, v0;
	v44 =	vld.idx.msk [tilespmem:v44+s13+$0x0], $0xffff  }
0x119: {  	v50 =	vor.u32 v19, v0;
	v45 =	vld.idx.msk [tilespmem:v45+s13+$0x0], $0xffff  }
0x11a: {  	v51 =	vor.u32 v20, v0;
	v46 =	vld.idx.msk [tilespmem:v46+s13+$0x0], $0xffff  }
0x11b: {  	v52 =	vor.u32 v21, v0;
	v47 =	vld.idx.msk [tilespmem:v47+s13+$0x0], $0xffff  }
0x11c: {  	v53 =	vor.u32 v22, v0;
	v48 =	vld.idx.msk [tilespmem:v48+s13+$0x0], $0xffff  }
0x11d: {  	v54 =	vor.u32 v23, v0;
	v49 =	vld.idx.msk [tilespmem:v49+s13+$0x0], $0xffff  }
0x11e: {  	v55 =	vor.u32 v24, v0;
	v50 =	vld.idx.msk [tilespmem:v50+s13+$0x0], $0xffff  }
0x11f: {  	v56 =	vor.u32 v25, v0;
	v51 =	vld.idx.msk [tilespmem:v51+s13+$0x0], $0xffff  }
0x120: {  	v57 =	vor.u32 v26, v0;
	v52 =	vld.idx.msk [tilespmem:v52+s13+$0x0], $0xffff  }
0x121: {  	v58 =	vor.u32 v27, v0;
	v53 =	vld.idx.msk [tilespmem:v53+s13+$0x0], $0xffff  }
0x122: {  	v59 =	vor.u32 v28, v0;
	v54 =	vld.idx.msk [tilespmem:v54+s13+$0x0], $0xffff  }
0x123: {  	v60 =	vor.u32 v29, v0;
	v55 =	vld.idx.msk [tilespmem:v55+s13+$0x0], $0xffff  }
0x124: {  	v61 =	vor.u32 v5, v0;
	v56 =	vld.idx.msk [tilespmem:v56+s13+$0x0], $0xffff  }
0x125: {  	v62 =	vor.u32 v31, v0;
	v57 =	vld.idx.msk [tilespmem:v57+s13+$0x0], $0xffff  }
0x126: {  	v0 =	vor.u32 v30, v0;
	v58 =	vld.idx.msk [tilespmem:v58+s13+$0x0], $0xffff  }
0x127: {  	v59 =	vld.idx.msk [tilespmem:v59+s13+$0x0], $0xffff  }
0x128: {  	v60 =	vld.idx.msk [tilespmem:v60+s13+$0x0], $0xffff  }
0x129: {  	s29 =	sand.u32 $0x3000, s26;
	s30 =	sand.u32 $0x380, s25;
	v61 =	vld.idx.msk [tilespmem:v61+s13+$0x0], $0xffff  }
0x12a: {  	s29 =	sor.u32 s30, s29;
	v62 =	vld.idx.msk [tilespmem:v62+s13+$0x0], $0xffff  }
0x12b: {  	s30 =	sadd.s32 $0x12400, s29;
	v0 =	vld.idx.msk [tilespmem:v0+s13+$0x0], $0xffff;
	[tilespmem:s29+$0x12400] =	vst v32  }
0x12c: {  	[tilespmem:s30+$0x40] =	vst v36  }
0x12d: {  	[tilespmem:s30+$0x50] =	vst v37  }
0x12e: {  	[tilespmem:s30+$0x60] =	vst v38  }
0x12f: {  	[tilespmem:s30+$0x70] =	vst v39  }
0x130: {  	[tilespmem:s30+$0x400] =	vst v40  }
0x131: {  	[tilespmem:s30+$0x410] =	vst v41  }
0x132: {  	[tilespmem:s30+$0x420] =	vst v42  }
0x133: {  	[tilespmem:s30+$0x430] =	vst v43  }
0x134: {  	[tilespmem:s30+$0x440] =	vst v44  }
0x135: {  	[tilespmem:s30+$0x450] =	vst v45  }
0x136: {  	[tilespmem:s30+$0x460] =	vst v46  }
0x137: {  	[tilespmem:s30+$0x470] =	vst v47  }
0x138: {  	[tilespmem:s30+$0x800] =	vst v48  }
0x139: {  	[tilespmem:s30+$0x810] =	vst v49  }
0x13a: {  	[tilespmem:s30+$0x820] =	vst v50  }
0x13b: {  	[tilespmem:s30+$0x830] =	vst v51  }
0x13c: {  	[tilespmem:s30+$0x840] =	vst v52  }
0x13d: {  	[tilespmem:s30+$0x850] =	vst v53  }
0x13e: {  	[tilespmem:s30+$0x860] =	vst v54  }
0x13f: {  	[tilespmem:s30+$0x870] =	vst v55  }
0x140: {  	[tilespmem:s30+$0xC00] =	vst v56  }
0x141: {  	[tilespmem:s30+$0xC10] =	vst v57  }
0x142: {  	[tilespmem:s30+$0xC20] =	vst v58  }
0x143: {  	[tilespmem:s30+$0xC30] =	vst v59  }
0x144: {  	[tilespmem:s30+$0xC40] =	vst v60  }
0x145: {  	p0 =	sne.s32 s28, $0x1F;
	[tilespmem:s30+$0xC50] =	vst v61  }
.Ltmp6:
0x146: {  	[tilespmem:s30+$0xC60] =	vst v62;
	(pc) =	sbr.rel @p0 .LBB2_9-.Ltmp6, $4  }
0x147: {  	[tilespmem:s30+$0xC70] =	vst v0  }
0x148: {  	[tilespmem:s30+$0x10] =	vst v33  }
0x149: {  	[tilespmem:s30+$0x20] =	vst v34  }
0x14a: {  	s26 =	sadd.s32 $0x200, s26;
	s25 =	sadd.s32 $0x80, s25;
	s28 =	sadd.s32 $0x1, s28;
	[tilespmem:s30+$0x30] =	vst v35  }
0x14b: {  	p0 =	seq.s32 s23, $0x18  }
.Ltmp7:
0x14c: {  	_ = 	snop;
	(pc) =	sbr.rel @p0 .LBB2_12-.Ltmp7, $3  }
0x14d: {  	_ =	sdelay $0x1  }
0x14e: {  	s24 =	sadd.s32 s24, s7  }
0x14f: {  	[hbm4b:s24+s15] =	stream.strided.scatter [tilespmem:s20], [sflag:$0x4], $0x4000, s16, s15, $0x38;
	[tilespmem:$0x16400] =	vst v63  }
.Ltmp8:
0x150: {  	(pc) =	sbr.rel .LBB2_2-.Ltmp8, $4  }
0x151: {  	s24 =	sshll.u32 s23, $0xA  }
0x152: {  	s24 =	sand.u32 $0x3FFFFC00, s24  }
0x153: {  	s23 =	sadd.s32 $0x1, s23;
	s24 =	sadd.s32 $0x600, s24  }
0x154: {  	[tilespmem:s13], [sflag:$0x2] =	stream.indirect.gather [hbm4b:s4+s9], $0x20, s24, s9, $0xb8;
	[tilespmem:$0x16400] =	vst v63  }
.LBB2_13:
0x155: {  	_ =	sfence.sel $0x180000  }
0x156: {  	[bflag:$0x0] =	sbarrier.arrive $0xFFFF  }
0x157: {  	p0 =	sne.s32 s1, $0x0;
	_ =	strace $0x90000047  }
0x158: {  	s0 =	sadd.s32 @!p0 $0x100000, s0;
	[bflag:$0x2] =	sbarrier.arrive $0xFFFF  }
0x159: {  	[sflag:s0] =	ssyncadd.tile.s32 @!p0 $0x1;
	_ =	shalt  }
.Lfunc_end2:
_tile_overlayer_lowered:
.L_overlay_start_2:
0x15a: {  	(tag) =	ssettag $0x2  }
0x15b: {  	s0 =	rddreg [dreg:$0x0];
	s2 =	stileid.u32  }
0x15c: {  	s1 =	rddreg [dreg:$0x1];
	p0 =	sne.s32 s2, $0x0  }
0x15d: {  	s3 =	rddreg [dreg:$0x2];
	[bflag:$0x3] =	sbarrier.arrive $0xFFFF;
	s2 =	simm.s32 @!p0 $0x1C05  }
0x15e: {  	[timem:s3], [sflag:s2] =	dma.local @!p0 [hbm:s0], s1  }
0x15f: {  	s0 =	simm.s32 @!p0 $0x5  }
0x160: {  	_ =	swait.ge @!p0 [sflag:s0], s1  }
0x161: {  	s1 =	ssub.s32 @!p0 $0x0, s1;
	[sflag:s0] =	ssyncset.done @!p0 $0x0  }
0x162: {  	[sflag:s0] =	ssyncadd.s32 @!p0 s1  }
0x163: {  	[bflag:$0x3] =	sbarrier.arrive $0xFFFF  }
0x164: {  	_ =	shalt  }

</sc_bundles>
